<compile_context>
chip_gen: v7x
topology: tpu7x:2x2x1
jax: 0.10.2.dev20260603
libtpu: 0.0.44.dev20260713+nightly
codegen_flags: <defaults>
</compile_context>

<pallas_src>
import functools

import jax
import jax.numpy as jnp
from jax import lax
from jax.experimental import pallas as pl
from jax.experimental.pallas import tpu as pltpu
from jax.experimental.pallas import tpu_sc as plsc

N0, N1, N2 = 50000, 10000, 2000
E1, E2 = 320000, 64000
F = 128
NC, NS = 2, 16
NW = NC * NS
K = 80
G = 25
DEPTH = 3
ZR = 128


def _pad_rows(n):
    return -(-n // (NS * ZR)) * (NS * ZR)


def _pad_edges(e):
    return -(-e // (NW * G * K)) * (NW * G * K)


@functools.lru_cache(maxsize=None)
def _make_segsum(E_pad, N_out):
    CH = E_pad // (NW * K)
    GR = CH // G
    N_pad = _pad_rows(N_out)
    persub = N_pad // NS
    mesh = plsc.VectorSubcoreMesh(
        core_axis_name="c", subcore_axis_name="s",
        num_cores=NC, num_subcores=NS)

    @functools.partial(
        pl.kernel,
        out_type=jax.ShapeDtypeStruct((NC * N_pad, F), jnp.float32),
        mesh=mesh,
        scratch_types=[
            pltpu.VMEM((2, G, K), jnp.int32),
            pltpu.VMEM((2, G, K), jnp.int32),
            pltpu.VMEM((DEPTH * K, F), jnp.float32),
            pltpu.VMEM_SHARED((N_pad, F), jnp.float32),
            pltpu.SemaphoreType.DMA((DEPTH,)),
            pltpu.SemaphoreType.DMA((2,)),
        ],
    )
    def segsum(x_hbm, edges_hbm, zeros_hbm, out_hbm,
               src_v, dst_v, rows, acc_sh, sg, si):
        cid = lax.axis_index("c")
        sid = lax.axis_index("s")
        wid = sid * NC + cid

        pltpu.sync_copy(zeros_hbm, acc_sh.at[pl.ds(sid * persub, persub)])
        plsc.subcore_barrier()

        def stage(g, s):
            pltpu.async_copy(edges_hbm.at[0, wid, g], src_v.at[s], si.at[s])
            pltpu.async_copy(edges_hbm.at[1, wid, g], dst_v.at[s], si.at[s])

        def stage_wait(g, s):
            pltpu.make_async_copy(edges_hbm.at[0, wid, g], src_v.at[s],
                                  si.at[s]).wait()
            pltpu.make_async_copy(edges_hbm.at[1, wid, g], dst_v.at[s],
                                  si.at[s]).wait()

        stage(0, 0)

        def group(g, _):
            s = g % 2
            @pl.when(g + 1 < GR)
            def _():
                stage(g + 1, 1 - s)
            stage_wait(g, s)
            for p in range(DEPTH - 1):
                pltpu.async_copy(x_hbm.at[src_v.at[s, p]],
                                 rows.at[pl.ds(p * K, K)], sg.at[p])
            def body(c, _):
                b = c % DEPTH
                nb = (c + DEPTH - 1) % DEPTH
                @pl.when(c + DEPTH - 1 < G)
                def _():
                    pltpu.async_copy(x_hbm.at[src_v.at[s, c + DEPTH - 1]],
                                     rows.at[pl.ds(nb * K, K)], sg.at[nb])
                pltpu.make_async_copy(x_hbm.at[src_v.at[s, c]],
                                      rows.at[pl.ds(b * K, K)],
                                      sg.at[b]).wait()
                pltpu.sync_copy(rows.at[pl.ds(b * K, K)],
                                acc_sh.at[dst_v.at[s, c]], add=True)
                return 0
            lax.fori_loop(0, G, body, 0)
            return 0
        lax.fori_loop(0, GR, group, 0)
        plsc.subcore_barrier()

        for r in range(persub // ZR):
            off = sid * persub + r * ZR
            pltpu.sync_copy(acc_sh.at[pl.ds(off, ZR)],
                            out_hbm.at[pl.ds(cid * N_pad + off, ZR)])

    return segsum


def _segsum(x_rows, edge_index, E, N_out):
    E_pad = _pad_edges(E)
    if E_pad != E:
        pad = E_pad - E
        edge_index = jnp.concatenate(
            [edge_index,
             jnp.stack([jnp.zeros((pad,), jnp.int32),
                        jnp.full((pad,), N_out, jnp.int32)])], axis=1)
    edges = edge_index.reshape(2, NW, E_pad // (NW * G * K), G, K)
    N_pad = _pad_rows(N_out)
    zeros = jnp.zeros((N_pad // NS, F), jnp.float32)
    out = _make_segsum(E_pad, N_out)(x_rows, edges, zeros)
    return out.reshape(NC, N_pad, F)


def _root1_body(xt_ref, wroot_ref, b_ref, o_ref):
    o_ref[...] = jnp.dot(xt_ref[...], wroot_ref[...],
                         preferred_element_type=jnp.float32) + b_ref[...]


def _lin1_body(p_ref, root_ref, wr_ref, o_ref):
    a = p_ref[0] + p_ref[1]
    acc = jnp.dot(a, wr_ref[...], preferred_element_type=jnp.float32)
    o_ref[...] = jnp.maximum(acc + root_ref[...], 0.0)


def _head_body(p_ref, ht_ref, wr_ref, b2_ref, wroot_ref, wlin_ref, blin_ref,
               whead_ref, bhead_ref, o_ref):
    a = p_ref[0] + p_ref[1]
    h2 = jnp.dot(a, wr_ref[...], preferred_element_type=jnp.float32)
    h2 += jnp.dot(ht_ref[...], wroot_ref[...],
                  preferred_element_type=jnp.float32)
    h2 += b2_ref[...]
    t = jnp.dot(h2, wlin_ref[...], preferred_element_type=jnp.float32)
    t += blin_ref[...]
    o_ref[...] = jnp.dot(t, whead_ref[...],
                         preferred_element_type=jnp.float32) + bhead_ref[...]


def kernel(x, edge_index1, edge_index2, W_rel1, b_rel1, W_root1,
           W_rel2, b_rel2, W_root2, W_lin, b_lin, W_head, b_head):
    R = 1000
    root1 = pl.pallas_call(
        _root1_body,
        grid=(N1 // R,),
        in_specs=[
            pl.BlockSpec((R, F), lambda i: (i, 0)),
            pl.BlockSpec((F, F), lambda i: (0, 0)),
            pl.BlockSpec((1, F), lambda i: (0, 0)),
        ],
        out_specs=pl.BlockSpec((R, F), lambda i: (i, 0)),
        out_shape=jax.ShapeDtypeStruct((N1, F), jnp.float32),
    )(x, W_root1, b_rel1.reshape(1, F))

    p1 = _segsum(x, edge_index1, E1, N1)

    h = pl.pallas_call(
        _lin1_body,
        grid=(N1 // R,),
        in_specs=[
            pl.BlockSpec((NC, R, F), lambda i: (0, i, 0)),
            pl.BlockSpec((R, F), lambda i: (i, 0)),
            pl.BlockSpec((F, F), lambda i: (0, 0)),
        ],
        out_specs=pl.BlockSpec((R, F), lambda i: (i, 0)),
        out_shape=jax.ShapeDtypeStruct((N1, F), jnp.float32),
    )(p1, root1, W_rel1)

    p2 = _segsum(h, edge_index2, E2, N2)

    C = W_head.shape[1]
    W_head_p = jnp.zeros((F, F), jnp.float32).at[:, :C].set(W_head)
    b_head_p = jnp.zeros((1, F), jnp.float32).at[0, :C].set(b_head)
    full = lambda *s: pl.BlockSpec(s, lambda i: tuple(0 for _ in s))
    out = pl.pallas_call(
        _head_body,
        grid=(1,),
        in_specs=[
            full(NC, N2, F), full(N2, F), full(F, F), full(1, F),
            full(F, F), full(F, F), full(1, F), full(F, F), full(1, F),
        ],
        out_specs=full(N2, F),
        out_shape=jax.ShapeDtypeStruct((N2, F), jnp.float32),
    )(p2, h, W_rel2, b_rel2.reshape(1, F), W_root2,
      W_lin, b_lin.reshape(1, F), W_head_p, b_head_p)
    return out[:, :C]

# --- scband reference (transcript-rebuilt; emitter-appended) ---
"""Pipeline reference for scband-gcn-83219286327606 (READ-ONLY COPY).

The authoritative reference and input builder live on the scoring server;
editing this copy changes nothing except your own understanding.
"""

import jax, jax.numpy as jnp
import numpy as np

N0, N1, N2 = 50000, 10000, 2000
E1, E2 = 320000, 64000
F_IN, H, C = 128, 128, 100


def setup_inputs(seed: int = 0) -> dict:
    key = jax.random.key(seed)
    ks = jax.random.split(key, 20)
    x = jax.random.normal(ks[0], (N0, F_IN), dtype=jnp.float32)
    src1 = jax.random.randint(ks[1], (E1,), 0, N0, dtype=jnp.int32)
    dst1 = jax.random.randint(ks[2], (E1,), 0, N1, dtype=jnp.int32)
    edge_index1 = jnp.stack([src1, dst1], axis=0)
    src2 = jax.random.randint(ks[3], (E2,), 0, N1, dtype=jnp.int32)
    dst2 = jax.random.randint(ks[4], (E2,), 0, N2, dtype=jnp.int32)
    edge_index2 = jnp.stack([src2, dst2], axis=0)
    s_in = 1.0 / np.sqrt(F_IN)
    s_h = 1.0 / np.sqrt(H)
    # GraphConv layer 1 (bipartite): lin_rel (with bias) + lin_root (no bias)
    W_rel1 = jax.random.uniform(ks[5], (F_IN, H), jnp.float32, -s_in, s_in)
    b_rel1 = jax.random.uniform(ks[6], (H,), jnp.float32, -s_in, s_in)
    W_root1 = jax.random.uniform(ks[7], (F_IN, H), jnp.float32, -s_in, s_in)
    # GraphConv layer 2
    W_rel2 = jax.random.uniform(ks[8], (H, H), jnp.float32, -s_h, s_h)
    b_rel2 = jax.random.uniform(ks[9], (H,), jnp.float32, -s_h, s_h)
    W_root2 = jax.random.uniform(ks[10], (H, H), jnp.float32, -s_h, s_h)
    # linear + prediction_head
    W_lin = jax.random.uniform(ks[11], (H, H), jnp.float32, -s_h, s_h)
    b_lin = jax.random.uniform(ks[12], (H,), jnp.float32, -s_h, s_h)
    W_head = jax.random.uniform(ks[13], (H, C), jnp.float32, -s_h, s_h)
    b_head = jax.random.uniform(ks[14], (C,), jnp.float32, -s_h, s_h)
    return {
        "x": x,
        "edge_index1": edge_index1,
        "edge_index2": edge_index2,
        "W_rel1": W_rel1, "b_rel1": b_rel1, "W_root1": W_root1,
        "W_rel2": W_rel2, "b_rel2": b_rel2, "W_root2": W_root2,
        "W_lin": W_lin, "b_lin": b_lin,
        "W_head": W_head, "b_head": b_head,
    }


def _graph_conv(x_src, x_dst, edge_index, W_rel, b_rel, W_root, n_dst):
    # PyG GraphConv, aggr='add', bipartite input (x_src, x_dst):
    # out = lin_rel(scatter_add(x_src[src] -> dst)) + lin_root(x_dst)
    msgs = jnp.take(x_src, edge_index[0], axis=0)
    agg = jax.ops.segment_sum(msgs, edge_index[1], num_segments=n_dst)
    return agg @ W_rel + b_rel + x_dst @ W_root


def reference(x, edge_index1, edge_index2, W_rel1, b_rel1, W_root1,
              W_rel2, b_rel2, W_root2, W_lin, b_lin, W_head, b_head):
    # hop 1
    x_target = x[:N1]
    h = _graph_conv(x, x_target, edge_index1, W_rel1, b_rel1, W_root1, N1)
    h = jax.nn.relu(h)
    # dropout(p=0.5) is identity in eval mode
    # hop 2 (last layer: no relu/dropout)
    h_target = h[:N2]
    h2 = _graph_conv(h, h_target, edge_index2, W_rel2, b_rel2, W_root2, N2)
    out = (h2 @ W_lin + b_lin) @ W_head + b_head
    return out

if __name__ == "__main__":
    import jax
    _d = setup_inputs()
    print(jax.jit(kernel)(*tuple(_d.values())))

</pallas_src>

<mosaic_0001>
#map = affine_map<(d0, d1) -> (0, 0)>
#map1 = affine_map<(d0, d1) -> (0, 0, 0, 0, 0)>
module attributes {stable_mosaic.version = 14 : i64} {
  func.func @segsum(%arg0: i32, %arg1: i32, %arg2: memref<50000x128xf32, #tpu.memory_space<hbm>>, %arg3: memref<2x32x5x25x80xi32, #tpu.memory_space<hbm>>, %arg4: memref<640x128xf32, #tpu.memory_space<hbm>>, %arg5: memref<20480x128xf32, #tpu.memory_space<hbm>>, %arg6: memref<2x25x80xi32, #tpu.memory_space<vmem>>, %arg7: memref<2x25x80xi32, #tpu.memory_space<vmem>>, %arg8: memref<240x128xf32, #tpu.memory_space<vmem>>, %arg9: memref<10240x128xf32, #tpu.memory_space<vmem_shared>>, %arg10: memref<3x!tpu.dma_semaphore, #tpu.memory_space<semaphore_mem>>, %arg11: memref<2x!tpu.dma_semaphore, #tpu.memory_space<semaphore_mem>>) attributes {dimension_semantics = [#tpu.dimension_semantics<core_parallel>, #tpu.dimension_semantics<subcore_parallel>], iteration_bounds = array<i64: 2, 16>, scalar_prefetch = 0 : i64, scratch_operands = 6 : i64, tpu.core_type = #tpu.core_type<sc_vector_subcore>, window_params = [{transform_indices = #map}, {transform_indices = #map1}, {transform_indices = #map}, {transform_indices = #map}]} {
    %mul3A = arith.constant 2 : i32
    %mul3A_0 = arith.muli %arg1, %mul3A : i32
    %add3A = arith.addi %mul3A_0, %arg0 : i32
    %mul3A_1 = arith.constant 640 : i32
    %mul3A_2 = arith.muli %arg1, %mul3A_1 : i32
    "tpu.region"() ({
      %run_scoped3A = tpu.sem_alloc : memref<!tpu.dma_semaphore, #tpu.memory_space<semaphore_mem>>
      %dma_start3A_88 = arith.constant 0 : i32
      %dma_start3A_89 = tpu.memref_slice %arg9[%mul3A_2, %dma_start3A_88] : memref<10240x128xf32, #tpu.memory_space<vmem_shared>> -> memref<640x128xf32, #tpu.memory_space<vmem_shared>>
      tpu.enqueue_dma source(%arg4 : memref<640x128xf32, #tpu.memory_space<hbm>>) target(%dma_start3A_89 : memref<640x128xf32, #tpu.memory_space<vmem_shared>>) target_semaphore(%run_scoped3A : memref<!tpu.dma_semaphore, #tpu.memory_space<semaphore_mem>>)
      %dma_wait3A = arith.constant 0 : i32
      %dma_wait3A_90 = tpu.memref_slice %arg9[%mul3A_2, %dma_wait3A] : memref<10240x128xf32, #tpu.memory_space<vmem_shared>> -> memref<640x128xf32, #tpu.memory_space<vmem_shared>>
      tpu.wait_dma2 semaphore(%run_scoped3A : memref<!tpu.dma_semaphore, #tpu.memory_space<semaphore_mem>>) src(%arg4 : memref<640x128xf32, #tpu.memory_space<hbm>>) dst(%dma_wait3A_90 : memref<640x128xf32, #tpu.memory_space<vmem_shared>>)
      tpu.yield
    }) : () -> ()
    %barrier3A = arith.constant 0 : index
    tpu.barrier barrier_id(%barrier3A)
    %dma_start3A = arith.constant 0 : i32
    %dma_start3A_3 = arith.constant 0 : i32
    %dma_start3A_4 = arith.constant 0 : i32
    %dma_start3A_5 = arith.constant 0 : i32
    %dma_start3A_6 = arith.constant 0 : i32
    %dma_start3A_7 = arith.constant 0 : i32
    %dma_start3A_8 = tpu.memref_slice %arg6[%dma_start3A_4, %dma_start3A_6, %dma_start3A_7] : memref<2x25x80xi32, #tpu.memory_space<vmem>> -> memref<1x25x80xi32, #tpu.memory_space<vmem>>
    %dma_start3A_9 = tpu.memref_squeeze %dma_start3A_8 : memref<1x25x80xi32, #tpu.memory_space<vmem>> -> memref<25x80xi32, #tpu.memory_space<vmem>>
    %dma_start3A_10 = arith.constant 0 : i32
    %dma_start3A_11 = arith.constant 0 : i32
    %dma_start3A_12 = tpu.memref_slice %arg3[%dma_start3A, %add3A, %dma_start3A_3, %dma_start3A_10, %dma_start3A_11] : memref<2x32x5x25x80xi32, #tpu.memory_space<hbm>> -> memref<1x1x1x25x80xi32, #tpu.memory_space<hbm>>
    %dma_start3A_13 = tpu.memref_squeeze %dma_start3A_12 : memref<1x1x1x25x80xi32, #tpu.memory_space<hbm>> -> memref<25x80xi32, #tpu.memory_space<hbm>>
    %dma_start3A_14 = tpu.memref_slice %arg11[%dma_start3A_5] : memref<2x!tpu.dma_semaphore, #tpu.memory_space<semaphore_mem>> -> memref<1x!tpu.dma_semaphore, #tpu.memory_space<semaphore_mem>>
    %dma_start3A_15 = tpu.memref_squeeze %dma_start3A_14 : memref<1x!tpu.dma_semaphore, #tpu.memory_space<semaphore_mem>> -> memref<!tpu.dma_semaphore, #tpu.memory_space<semaphore_mem>>
    %dma_start3A_16 = arith.constant 0 : i32
    %dma_start3A_17 = arith.constant 0 : i32
    %dma_start3A_18 = tpu.memref_slice %arg6[%dma_start3A_4, %dma_start3A_16, %dma_start3A_17] : memref<2x25x80xi32, #tpu.memory_space<vmem>> -> memref<1x25x80xi32, #tpu.memory_space<vmem>>
    %dma_start3A_19 = tpu.memref_squeeze %dma_start3A_18 : memref<1x25x80xi32, #tpu.memory_space<vmem>> -> memref<25x80xi32, #tpu.memory_space<vmem>>
    %dma_start3A_20 = arith.constant 0 : i32
    %dma_start3A_21 = arith.constant 0 : i32
    %dma_start3A_22 = tpu.memref_slice %arg3[%dma_start3A, %add3A, %dma_start3A_3, %dma_start3A_20, %dma_start3A_21] : memref<2x32x5x25x80xi32, #tpu.memory_space<hbm>> -> memref<1x1x1x25x80xi32, #tpu.memory_space<hbm>>
    %dma_start3A_23 = tpu.memref_squeeze %dma_start3A_22 : memref<1x1x1x25x80xi32, #tpu.memory_space<hbm>> -> memref<25x80xi32, #tpu.memory_space<hbm>>
    tpu.enqueue_dma source(%dma_start3A_23 : memref<25x80xi32, #tpu.memory_space<hbm>>) target(%dma_start3A_19 : memref<25x80xi32, #tpu.memory_space<vmem>>) target_semaphore(%dma_start3A_15 : memref<!tpu.dma_semaphore, #tpu.memory_space<semaphore_mem>>)
    %dma_start3A_24 = arith.constant 1 : i32
    %dma_start3A_25 = arith.constant 0 : i32
    %dma_start3A_26 = arith.constant 0 : i32
    %dma_start3A_27 = arith.constant 0 : i32
    %dma_start3A_28 = arith.constant 0 : i32
    %dma_start3A_29 = arith.constant 0 : i32
    %dma_start3A_30 = tpu.memref_slice %arg7[%dma_start3A_26, %dma_start3A_28, %dma_start3A_29] : memref<2x25x80xi32, #tpu.memory_space<vmem>> -> memref<1x25x80xi32, #tpu.memory_space<vmem>>
    %dma_start3A_31 = tpu.memref_squeeze %dma_start3A_30 : memref<1x25x80xi32, #tpu.memory_space<vmem>> -> memref<25x80xi32, #tpu.memory_space<vmem>>
    %dma_start3A_32 = arith.constant 0 : i32
    %dma_start3A_33 = arith.constant 0 : i32
    %dma_start3A_34 = tpu.memref_slice %arg3[%dma_start3A_24, %add3A, %dma_start3A_25, %dma_start3A_32, %dma_start3A_33] : memref<2x32x5x25x80xi32, #tpu.memory_space<hbm>> -> memref<1x1x1x25x80xi32, #tpu.memory_space<hbm>>
    %dma_start3A_35 = tpu.memref_squeeze %dma_start3A_34 : memref<1x1x1x25x80xi32, #tpu.memory_space<hbm>> -> memref<25x80xi32, #tpu.memory_space<hbm>>
    %dma_start3A_36 = tpu.memref_slice %arg11[%dma_start3A_27] : memref<2x!tpu.dma_semaphore, #tpu.memory_space<semaphore_mem>> -> memref<1x!tpu.dma_semaphore, #tpu.memory_space<semaphore_mem>>
    %dma_start3A_37 = tpu.memref_squeeze %dma_start3A_36 : memref<1x!tpu.dma_semaphore, #tpu.memory_space<semaphore_mem>> -> memref<!tpu.dma_semaphore, #tpu.memory_space<semaphore_mem>>
    %dma_start3A_38 = arith.constant 0 : i32
    %dma_start3A_39 = arith.constant 0 : i32
    %dma_start3A_40 = tpu.memref_slice %arg7[%dma_start3A_26, %dma_start3A_38, %dma_start3A_39] : memref<2x25x80xi32, #tpu.memory_space<vmem>> -> memref<1x25x80xi32, #tpu.memory_space<vmem>>
    %dma_start3A_41 = tpu.memref_squeeze %dma_start3A_40 : memref<1x25x80xi32, #tpu.memory_space<vmem>> -> memref<25x80xi32, #tpu.memory_space<vmem>>
    %dma_start3A_42 = arith.constant 0 : i32
    %dma_start3A_43 = arith.constant 0 : i32
    %dma_start3A_44 = tpu.memref_slice %arg3[%dma_start3A_24, %add3A, %dma_start3A_25, %dma_start3A_42, %dma_start3A_43] : memref<2x32x5x25x80xi32, #tpu.memory_space<hbm>> -> memref<1x1x1x25x80xi32, #tpu.memory_space<hbm>>
    %dma_start3A_45 = tpu.memref_squeeze %dma_start3A_44 : memref<1x1x1x25x80xi32, #tpu.memory_space<hbm>> -> memref<25x80xi32, #tpu.memory_space<hbm>>
    tpu.enqueue_dma source(%dma_start3A_45 : memref<25x80xi32, #tpu.memory_space<hbm>>) target(%dma_start3A_41 : memref<25x80xi32, #tpu.memory_space<vmem>>) target_semaphore(%dma_start3A_37 : memref<!tpu.dma_semaphore, #tpu.memory_space<semaphore_mem>>)
    %scan3A = arith.constant 0 : i32
    %scan3A_46 = arith.constant 0 : i32
    %scan3A_47 = arith.constant 5 : i32
    %scan3A_48 = arith.addi %scan3A_46, %scan3A_47 : i32
    %scan3A_49 = arith.constant 1 : i32
    %scan3A_50 = scf.for %scan3A_88 = %scan3A_46 to %scan3A_48 step %scan3A_49 iter_args(%scan3A_89 = %scan3A) -> (i32)  : i32 {
      %jit3A = arith.constant 2 : i32
      %eq3A = arith.constant 0 : i32
      %eq3A_90 = arith.cmpi eq, %jit3A, %eq3A : i32
      %jit3A_91 = arith.constant 1 : i32
      %select_n3A = arith.select %eq3A_90, %jit3A_91, %jit3A : i32
      %rem3A = arith.remsi %scan3A_88, %select_n3A : i32
      %ne3A = arith.constant 0 : i32
      %ne3A_92 = arith.cmpi ne, %rem3A, %ne3A : i32
      %lt3A = arith.constant 0 : i32
      %lt3A_93 = arith.cmpi slt, %rem3A, %lt3A : i32
      %lt3A_94 = arith.constant 0 : i32
      %lt3A_95 = arith.cmpi slt, %select_n3A, %lt3A_94 : i32
      %ne3A_96 = arith.xori %lt3A_93, %lt3A_95 : i1
      %and3A = arith.andi %ne3A_96, %ne3A_92 : i1
      %add3A_97 = arith.addi %rem3A, %select_n3A : i32
      %select_n3A_98 = arith.select %and3A, %add3A_97, %rem3A : i32
      %add3A_99 = arith.constant 1 : i32
      %add3A_100 = arith.addi %scan3A_88, %add3A_99 : i32
      %lt3A_101 = arith.constant 5 : i32
      %lt3A_102 = arith.cmpi slt, %add3A_100, %lt3A_101 : i32
      %convert_element_type3A = arith.extui %lt3A_102 : i1 to i32
      %cond3A = arith.constant 0 : i32
      %cond3A_103 = arith.cmpi ne, %convert_element_type3A, %cond3A : i32
      scf.if %cond3A_103 {
        %add3A_175 = arith.constant 1 : i32
        %add3A_176 = arith.addi %scan3A_88, %add3A_175 : i32
        %sub3A = arith.constant 1 : i32
        %sub3A_177 = arith.subi %sub3A, %select_n3A_98 : i32
        %dma_start3A_178 = arith.constant 0 : i32
        %dma_start3A_179 = arith.constant 0 : i32
        %dma_start3A_180 = arith.constant 0 : i32
        %dma_start3A_181 = tpu.memref_slice %arg6[%sub3A_177, %dma_start3A_179, %dma_start3A_180] : memref<2x25x80xi32, #tpu.memory_space<vmem>> -> memref<1x25x80xi32, #tpu.memory_space<vmem>>
        %dma_start3A_182 = tpu.memref_squeeze %dma_start3A_181 : memref<1x25x80xi32, #tpu.memory_space<vmem>> -> memref<25x80xi32, #tpu.memory_space<vmem>>
        %dma_start3A_183 = arith.constant 0 : i32
        %dma_start3A_184 = arith.constant 0 : i32
        %dma_start3A_185 = tpu.memref_slice %arg3[%dma_start3A_178, %add3A, %add3A_176, %dma_start3A_183, %dma_start3A_184] : memref<2x32x5x25x80xi32, #tpu.memory_space<hbm>> -> memref<1x1x1x25x80xi32, #tpu.memory_space<hbm>>
        %dma_start3A_186 = tpu.memref_squeeze %dma_start3A_185 : memref<1x1x1x25x80xi32, #tpu.memory_space<hbm>> -> memref<25x80xi32, #tpu.memory_space<hbm>>
        %dma_start3A_187 = tpu.memref_slice %arg11[%sub3A_177] : memref<2x!tpu.dma_semaphore, #tpu.memory_space<semaphore_mem>> -> memref<1x!tpu.dma_semaphore, #tpu.memory_space<semaphore_mem>>
        %dma_start3A_188 = tpu.memref_squeeze %dma_start3A_187 : memref<1x!tpu.dma_semaphore, #tpu.memory_space<semaphore_mem>> -> memref<!tpu.dma_semaphore, #tpu.memory_space<semaphore_mem>>
        %dma_start3A_189 = arith.constant 0 : i32
        %dma_start3A_190 = arith.constant 0 : i32
        %dma_start3A_191 = tpu.memref_slice %arg6[%sub3A_177, %dma_start3A_189, %dma_start3A_190] : memref<2x25x80xi32, #tpu.memory_space<vmem>> -> memref<1x25x80xi32, #tpu.memory_space<vmem>>
        %dma_start3A_192 = tpu.memref_squeeze %dma_start3A_191 : memref<1x25x80xi32, #tpu.memory_space<vmem>> -> memref<25x80xi32, #tpu.memory_space<vmem>>
        %dma_start3A_193 = arith.constant 0 : i32
        %dma_start3A_194 = arith.constant 0 : i32
        %dma_start3A_195 = tpu.memref_slice %arg3[%dma_start3A_178, %add3A, %add3A_176, %dma_start3A_193, %dma_start3A_194] : memref<2x32x5x25x80xi32, #tpu.memory_space<hbm>> -> memref<1x1x1x25x80xi32, #tpu.memory_space<hbm>>
        %dma_start3A_196 = tpu.memref_squeeze %dma_start3A_195 : memref<1x1x1x25x80xi32, #tpu.memory_space<hbm>> -> memref<25x80xi32, #tpu.memory_space<hbm>>
        tpu.enqueue_dma source(%dma_start3A_196 : memref<25x80xi32, #tpu.memory_space<hbm>>) target(%dma_start3A_192 : memref<25x80xi32, #tpu.memory_space<vmem>>) target_semaphore(%dma_start3A_188 : memref<!tpu.dma_semaphore, #tpu.memory_space<semaphore_mem>>)
        %dma_start3A_197 = arith.constant 1 : i32
        %dma_start3A_198 = arith.constant 0 : i32
        %dma_start3A_199 = arith.constant 0 : i32
        %dma_start3A_200 = tpu.memref_slice %arg7[%sub3A_177, %dma_start3A_198, %dma_start3A_199] : memref<2x25x80xi32, #tpu.memory_space<vmem>> -> memref<1x25x80xi32, #tpu.memory_space<vmem>>
        %dma_start3A_201 = tpu.memref_squeeze %dma_start3A_200 : memref<1x25x80xi32, #tpu.memory_space<vmem>> -> memref<25x80xi32, #tpu.memory_space<vmem>>
        %dma_start3A_202 = arith.constant 0 : i32
        %dma_start3A_203 = arith.constant 0 : i32
        %dma_start3A_204 = tpu.memref_slice %arg3[%dma_start3A_197, %add3A, %add3A_176, %dma_start3A_202, %dma_start3A_203] : memref<2x32x5x25x80xi32, #tpu.memory_space<hbm>> -> memref<1x1x1x25x80xi32, #tpu.memory_space<hbm>>
        %dma_start3A_205 = tpu.memref_squeeze %dma_start3A_204 : memref<1x1x1x25x80xi32, #tpu.memory_space<hbm>> -> memref<25x80xi32, #tpu.memory_space<hbm>>
        %dma_start3A_206 = tpu.memref_slice %arg11[%sub3A_177] : memref<2x!tpu.dma_semaphore, #tpu.memory_space<semaphore_mem>> -> memref<1x!tpu.dma_semaphore, #tpu.memory_space<semaphore_mem>>
        %dma_start3A_207 = tpu.memref_squeeze %dma_start3A_206 : memref<1x!tpu.dma_semaphore, #tpu.memory_space<semaphore_mem>> -> memref<!tpu.dma_semaphore, #tpu.memory_space<semaphore_mem>>
        %dma_start3A_208 = arith.constant 0 : i32
        %dma_start3A_209 = arith.constant 0 : i32
        %dma_start3A_210 = tpu.memref_slice %arg7[%sub3A_177, %dma_start3A_208, %dma_start3A_209] : memref<2x25x80xi32, #tpu.memory_space<vmem>> -> memref<1x25x80xi32, #tpu.memory_space<vmem>>
        %dma_start3A_211 = tpu.memref_squeeze %dma_start3A_210 : memref<1x25x80xi32, #tpu.memory_space<vmem>> -> memref<25x80xi32, #tpu.memory_space<vmem>>
        %dma_start3A_212 = arith.constant 0 : i32
        %dma_start3A_213 = arith.constant 0 : i32
        %dma_start3A_214 = tpu.memref_slice %arg3[%dma_start3A_197, %add3A, %add3A_176, %dma_start3A_212, %dma_start3A_213] : memref<2x32x5x25x80xi32, #tpu.memory_space<hbm>> -> memref<1x1x1x25x80xi32, #tpu.memory_space<hbm>>
        %dma_start3A_215 = tpu.memref_squeeze %dma_start3A_214 : memref<1x1x1x25x80xi32, #tpu.memory_space<hbm>> -> memref<25x80xi32, #tpu.memory_space<hbm>>
        tpu.enqueue_dma source(%dma_start3A_215 : memref<25x80xi32, #tpu.memory_space<hbm>>) target(%dma_start3A_211 : memref<25x80xi32, #tpu.memory_space<vmem>>) target_semaphore(%dma_start3A_207 : memref<!tpu.dma_semaphore, #tpu.memory_space<semaphore_mem>>)
      } else {
      }
      %dma_wait3A = arith.constant 0 : i32
      %dma_wait3A_104 = arith.constant 0 : i32
      %dma_wait3A_105 = arith.constant 0 : i32
      %dma_wait3A_106 = tpu.memref_slice %arg6[%select_n3A_98, %dma_wait3A_104, %dma_wait3A_105] : memref<2x25x80xi32, #tpu.memory_space<vmem>> -> memref<1x25x80xi32, #tpu.memory_space<vmem>>
      %dma_wait3A_107 = tpu.memref_squeeze %dma_wait3A_106 : memref<1x25x80xi32, #tpu.memory_space<vmem>> -> memref<25x80xi32, #tpu.memory_space<vmem>>
      %dma_wait3A_108 = arith.constant 0 : i32
      %dma_wait3A_109 = arith.constant 0 : i32
      %dma_wait3A_110 = tpu.memref_slice %arg3[%dma_wait3A, %add3A, %scan3A_88, %dma_wait3A_108, %dma_wait3A_109] : memref<2x32x5x25x80xi32, #tpu.memory_space<hbm>> -> memref<1x1x1x25x80xi32, #tpu.memory_space<hbm>>
      %dma_wait3A_111 = tpu.memref_squeeze %dma_wait3A_110 : memref<1x1x1x25x80xi32, #tpu.memory_space<hbm>> -> memref<25x80xi32, #tpu.memory_space<hbm>>
      %dma_wait3A_112 = tpu.memref_slice %arg11[%select_n3A_98] : memref<2x!tpu.dma_semaphore, #tpu.memory_space<semaphore_mem>> -> memref<1x!tpu.dma_semaphore, #tpu.memory_space<semaphore_mem>>
      %dma_wait3A_113 = tpu.memref_squeeze %dma_wait3A_112 : memref<1x!tpu.dma_semaphore, #tpu.memory_space<semaphore_mem>> -> memref<!tpu.dma_semaphore, #tpu.memory_space<semaphore_mem>>
      %dma_wait3A_114 = arith.constant 0 : i32
      %dma_wait3A_115 = arith.constant 0 : i32
      %dma_wait3A_116 = tpu.memref_slice %arg6[%select_n3A_98, %dma_wait3A_114, %dma_wait3A_115] : memref<2x25x80xi32, #tpu.memory_space<vmem>> -> memref<1x25x80xi32, #tpu.memory_space<vmem>>
      %dma_wait3A_117 = tpu.memref_squeeze %dma_wait3A_116 : memref<1x25x80xi32, #tpu.memory_space<vmem>> -> memref<25x80xi32, #tpu.memory_space<vmem>>
      %dma_wait3A_118 = arith.constant 0 : i32
      %dma_wait3A_119 = arith.constant 0 : i32
      %dma_wait3A_120 = tpu.memref_slice %arg3[%dma_wait3A, %add3A, %scan3A_88, %dma_wait3A_118, %dma_wait3A_119] : memref<2x32x5x25x80xi32, #tpu.memory_space<hbm>> -> memref<1x1x1x25x80xi32, #tpu.memory_space<hbm>>
      %dma_wait3A_121 = tpu.memref_squeeze %dma_wait3A_120 : memref<1x1x1x25x80xi32, #tpu.memory_space<hbm>> -> memref<25x80xi32, #tpu.memory_space<hbm>>
      tpu.wait_dma2 semaphore(%dma_wait3A_113 : memref<!tpu.dma_semaphore, #tpu.memory_space<semaphore_mem>>) src(%dma_wait3A_121 : memref<25x80xi32, #tpu.memory_space<hbm>>) dst(%dma_wait3A_117 : memref<25x80xi32, #tpu.memory_space<vmem>>)
      %dma_wait3A_122 = arith.constant 1 : i32
      %dma_wait3A_123 = arith.constant 0 : i32
      %dma_wait3A_124 = arith.constant 0 : i32
      %dma_wait3A_125 = tpu.memref_slice %arg7[%select_n3A_98, %dma_wait3A_123, %dma_wait3A_124] : memref<2x25x80xi32, #tpu.memory_space<vmem>> -> memref<1x25x80xi32, #tpu.memory_space<vmem>>
      %dma_wait3A_126 = tpu.memref_squeeze %dma_wait3A_125 : memref<1x25x80xi32, #tpu.memory_space<vmem>> -> memref<25x80xi32, #tpu.memory_space<vmem>>
      %dma_wait3A_127 = arith.constant 0 : i32
      %dma_wait3A_128 = arith.constant 0 : i32
      %dma_wait3A_129 = tpu.memref_slice %arg3[%dma_wait3A_122, %add3A, %scan3A_88, %dma_wait3A_127, %dma_wait3A_128] : memref<2x32x5x25x80xi32, #tpu.memory_space<hbm>> -> memref<1x1x1x25x80xi32, #tpu.memory_space<hbm>>
      %dma_wait3A_130 = tpu.memref_squeeze %dma_wait3A_129 : memref<1x1x1x25x80xi32, #tpu.memory_space<hbm>> -> memref<25x80xi32, #tpu.memory_space<hbm>>
      %dma_wait3A_131 = tpu.memref_slice %arg11[%select_n3A_98] : memref<2x!tpu.dma_semaphore, #tpu.memory_space<semaphore_mem>> -> memref<1x!tpu.dma_semaphore, #tpu.memory_space<semaphore_mem>>
      %dma_wait3A_132 = tpu.memref_squeeze %dma_wait3A_131 : memref<1x!tpu.dma_semaphore, #tpu.memory_space<semaphore_mem>> -> memref<!tpu.dma_semaphore, #tpu.memory_space<semaphore_mem>>
      %dma_wait3A_133 = arith.constant 0 : i32
      %dma_wait3A_134 = arith.constant 0 : i32
      %dma_wait3A_135 = tpu.memref_slice %arg7[%select_n3A_98, %dma_wait3A_133, %dma_wait3A_134] : memref<2x25x80xi32, #tpu.memory_space<vmem>> -> memref<1x25x80xi32, #tpu.memory_space<vmem>>
      %dma_wait3A_136 = tpu.memref_squeeze %dma_wait3A_135 : memref<1x25x80xi32, #tpu.memory_space<vmem>> -> memref<25x80xi32, #tpu.memory_space<vmem>>
      %dma_wait3A_137 = arith.constant 0 : i32
      %dma_wait3A_138 = arith.constant 0 : i32
      %dma_wait3A_139 = tpu.memref_slice %arg3[%dma_wait3A_122, %add3A, %scan3A_88, %dma_wait3A_137, %dma_wait3A_138] : memref<2x32x5x25x80xi32, #tpu.memory_space<hbm>> -> memref<1x1x1x25x80xi32, #tpu.memory_space<hbm>>
      %dma_wait3A_140 = tpu.memref_squeeze %dma_wait3A_139 : memref<1x1x1x25x80xi32, #tpu.memory_space<hbm>> -> memref<25x80xi32, #tpu.memory_space<hbm>>
      tpu.wait_dma2 semaphore(%dma_wait3A_132 : memref<!tpu.dma_semaphore, #tpu.memory_space<semaphore_mem>>) src(%dma_wait3A_140 : memref<25x80xi32, #tpu.memory_space<hbm>>) dst(%dma_wait3A_136 : memref<25x80xi32, #tpu.memory_space<vmem>>)
      %dma_start3A_141 = arith.constant 0 : i32
      %dma_start3A_142 = arith.constant 0 : i32
      %dma_start3A_143 = arith.constant 0 : i32
      %dma_start3A_144 = arith.constant 0 : i32
      %dma_start3A_145 = tpu.memref_slice %arg8[%dma_start3A_143, %dma_start3A_144] : memref<240x128xf32, #tpu.memory_space<vmem>> -> memref<80x128xf32, #tpu.memory_space<vmem>>
      %dma_start3A_146 = arith.constant 0 : i32
      %dma_start3A_147 = tpu.memref_slice %arg6[%select_n3A_98, %dma_start3A_141, %dma_start3A_146] : memref<2x25x80xi32, #tpu.memory_space<vmem>> -> memref<1x1x80xi32, #tpu.memory_space<vmem>>
      %dma_start3A_148 = tpu.memref_squeeze %dma_start3A_147 : memref<1x1x80xi32, #tpu.memory_space<vmem>> -> memref<80xi32, #tpu.memory_space<vmem>>
      %dma_start3A_149 = arith.constant 0 : i32
      %dma_start3A_150 = arith.constant 0 : i32
      %dma_start3A_151 = tpu.memref_slice %arg2[%dma_start3A_149, %dma_start3A_150] : memref<50000x128xf32, #tpu.memory_space<hbm>> -> memref<50000x128xf32, #tpu.memory_space<hbm>>
      %dma_start3A_152 = tpu.memref_slice %arg10[%dma_start3A_142] : memref<3x!tpu.dma_semaphore, #tpu.memory_space<semaphore_mem>> -> memref<1x!tpu.dma_semaphore, #tpu.memory_space<semaphore_mem>>
      %dma_start3A_153 = tpu.memref_squeeze %dma_start3A_152 : memref<1x!tpu.dma_semaphore, #tpu.memory_space<semaphore_mem>> -> memref<!tpu.dma_semaphore, #tpu.memory_space<semaphore_mem>>
      tpu.enqueue_indirect_dma source(%dma_start3A_151 : memref<50000x128xf32, #tpu.memory_space<hbm>>) target(%dma_start3A_145 : memref<80x128xf32, #tpu.memory_space<vmem>>) offsets(%dma_start3A_148 : memref<80xi32, #tpu.memory_space<vmem>>) semaphore(%dma_start3A_153 : memref<!tpu.dma_semaphore, #tpu.memory_space<semaphore_mem>>)
      %dma_start3A_154 = arith.constant 1 : i32
      %dma_start3A_155 = arith.constant 1 : i32
      %dma_start3A_156 = arith.constant 80 : i32
      %dma_start3A_157 = arith.constant 0 : i32
      %dma_start3A_158 = tpu.memref_slice %arg8[%dma_start3A_156, %dma_start3A_157] : memref<240x128xf32, #tpu.memory_space<vmem>> -> memref<80x128xf32, #tpu.memory_space<vmem>>
      %dma_start3A_159 = arith.constant 0 : i32
      %dma_start3A_160 = tpu.memref_slice %arg6[%select_n3A_98, %dma_start3A_154, %dma_start3A_159] : memref<2x25x80xi32, #tpu.memory_space<vmem>> -> memref<1x1x80xi32, #tpu.memory_space<vmem>>
      %dma_start3A_161 = tpu.memref_squeeze %dma_start3A_160 : memref<1x1x80xi32, #tpu.memory_space<vmem>> -> memref<80xi32, #tpu.memory_space<vmem>>
      %dma_start3A_162 = arith.constant 0 : i32
      %dma_start3A_163 = arith.constant 0 : i32
      %dma_start3A_164 = tpu.memref_slice %arg2[%dma_start3A_162, %dma_start3A_163] : memref<50000x128xf32, #tpu.memory_space<hbm>> -> memref<50000x128xf32, #tpu.memory_space<hbm>>
      %dma_start3A_165 = tpu.memref_slice %arg10[%dma_start3A_155] : memref<3x!tpu.dma_semaphore, #tpu.memory_space<semaphore_mem>> -> memref<1x!tpu.dma_semaphore, #tpu.memory_space<semaphore_mem>>
      %dma_start3A_166 = tpu.memref_squeeze %dma_start3A_165 : memref<1x!tpu.dma_semaphore, #tpu.memory_space<semaphore_mem>> -> memref<!tpu.dma_semaphore, #tpu.memory_space<semaphore_mem>>
      tpu.enqueue_indirect_dma source(%dma_start3A_164 : memref<50000x128xf32, #tpu.memory_space<hbm>>) target(%dma_start3A_158 : memref<80x128xf32, #tpu.memory_space<vmem>>) offsets(%dma_start3A_161 : memref<80xi32, #tpu.memory_space<vmem>>) semaphore(%dma_start3A_166 : memref<!tpu.dma_semaphore, #tpu.memory_space<semaphore_mem>>)
      %scan3A_167 = arith.constant 0 : i32
      %scan3A_168 = arith.constant 0 : i32
      %scan3A_169 = arith.constant 25 : i32
      %scan3A_170 = arith.addi %scan3A_168, %scan3A_169 : i32
      %scan3A_171 = arith.constant 1 : i32
      %scan3A_172 = scf.for %scan3A_175 = %scan3A_168 to %scan3A_170 step %scan3A_171 iter_args(%scan3A_176 = %scan3A_167) -> (i32)  : i32 {
        %jit3A_177 = arith.constant 3 : i32
        %eq3A_178 = arith.constant 0 : i32
        %eq3A_179 = arith.cmpi eq, %jit3A_177, %eq3A_178 : i32
        %jit3A_180 = arith.constant 1 : i32
        %select_n3A_181 = arith.select %eq3A_179, %jit3A_180, %jit3A_177 : i32
        %rem3A_182 = arith.remsi %scan3A_175, %select_n3A_181 : i32
        %ne3A_183 = arith.constant 0 : i32
        %ne3A_184 = arith.cmpi ne, %rem3A_182, %ne3A_183 : i32
        %lt3A_185 = arith.constant 0 : i32
        %lt3A_186 = arith.cmpi slt, %rem3A_182, %lt3A_185 : i32
        %lt3A_187 = arith.constant 0 : i32
        %lt3A_188 = arith.cmpi slt, %select_n3A_181, %lt3A_187 : i32
        %ne3A_189 = arith.xori %lt3A_186, %lt3A_188 : i1
        %and3A_190 = arith.andi %ne3A_189, %ne3A_184 : i1
        %add3A_191 = arith.addi %rem3A_182, %select_n3A_181 : i32
        %select_n3A_192 = arith.select %and3A_190, %add3A_191, %rem3A_182 : i32
        %add3A_193 = arith.constant 3 : i32
        %add3A_194 = arith.addi %scan3A_175, %add3A_193 : i32
        %sub3A = arith.constant 1 : i32
        %sub3A_195 = arith.subi %add3A_194, %sub3A : i32
        %jit3A_196 = arith.constant 3 : i32
        %eq3A_197 = arith.constant 0 : i32
        %eq3A_198 = arith.cmpi eq, %jit3A_196, %eq3A_197 : i32
        %jit3A_199 = arith.constant 1 : i32
        %select_n3A_200 = arith.select %eq3A_198, %jit3A_199, %jit3A_196 : i32
        %rem3A_201 = arith.remsi %sub3A_195, %select_n3A_200 : i32
        %ne3A_202 = arith.constant 0 : i32
        %ne3A_203 = arith.cmpi ne, %rem3A_201, %ne3A_202 : i32
        %lt3A_204 = arith.constant 0 : i32
        %lt3A_205 = arith.cmpi slt, %rem3A_201, %lt3A_204 : i32
        %lt3A_206 = arith.constant 0 : i32
        %lt3A_207 = arith.cmpi slt, %select_n3A_200, %lt3A_206 : i32
        %ne3A_208 = arith.xori %lt3A_205, %lt3A_207 : i1
        %and3A_209 = arith.andi %ne3A_208, %ne3A_203 : i1
        %add3A_210 = arith.addi %rem3A_201, %select_n3A_200 : i32
        %select_n3A_211 = arith.select %and3A_209, %add3A_210, %rem3A_201 : i32
        %add3A_212 = arith.constant 3 : i32
        %add3A_213 = arith.addi %scan3A_175, %add3A_212 : i32
        %sub3A_214 = arith.constant 1 : i32
        %sub3A_215 = arith.subi %add3A_213, %sub3A_214 : i32
        %lt3A_216 = arith.constant 25 : i32
        %lt3A_217 = arith.cmpi slt, %sub3A_215, %lt3A_216 : i32
        %convert_element_type3A_218 = arith.extui %lt3A_217 : i1 to i32
        %cond3A_219 = arith.constant 0 : i32
        %cond3A_220 = arith.cmpi ne, %convert_element_type3A_218, %cond3A_219 : i32
        scf.if %cond3A_220 {
          %add3A_236 = arith.constant 3 : i32
          %add3A_237 = arith.addi %scan3A_175, %add3A_236 : i32
          %sub3A_238 = arith.constant 1 : i32
          %sub3A_239 = arith.subi %add3A_237, %sub3A_238 : i32
          %mul3A_240 = arith.constant 80 : i32
          %mul3A_241 = arith.muli %select_n3A_211, %mul3A_240 : i32
          %dma_start3A_242 = arith.constant 0 : i32
          %dma_start3A_243 = tpu.memref_slice %arg8[%mul3A_241, %dma_start3A_242] : memref<240x128xf32, #tpu.memory_space<vmem>> -> memref<80x128xf32, #tpu.memory_space<vmem>>
          %dma_start3A_244 = arith.constant 0 : i32
          %dma_start3A_245 = tpu.memref_slice %arg6[%select_n3A_98, %sub3A_239, %dma_start3A_244] : memref<2x25x80xi32, #tpu.memory_space<vmem>> -> memref<1x1x80xi32, #tpu.memory_space<vmem>>
          %dma_start3A_246 = tpu.memref_squeeze %dma_start3A_245 : memref<1x1x80xi32, #tpu.memory_space<vmem>> -> memref<80xi32, #tpu.memory_space<vmem>>
          %dma_start3A_247 = arith.constant 0 : i32
          %dma_start3A_248 = arith.constant 0 : i32
          %dma_start3A_249 = tpu.memref_slice %arg2[%dma_start3A_247, %dma_start3A_248] : memref<50000x128xf32, #tpu.memory_space<hbm>> -> memref<50000x128xf32, #tpu.memory_space<hbm>>
          %dma_start3A_250 = tpu.memref_slice %arg10[%select_n3A_211] : memref<3x!tpu.dma_semaphore, #tpu.memory_space<semaphore_mem>> -> memref<1x!tpu.dma_semaphore, #tpu.memory_space<semaphore_mem>>
          %dma_start3A_251 = tpu.memref_squeeze %dma_start3A_250 : memref<1x!tpu.dma_semaphore, #tpu.memory_space<semaphore_mem>> -> memref<!tpu.dma_semaphore, #tpu.memory_space<semaphore_mem>>
          tpu.enqueue_indirect_dma source(%dma_start3A_249 : memref<50000x128xf32, #tpu.memory_space<hbm>>) target(%dma_start3A_243 : memref<80x128xf32, #tpu.memory_space<vmem>>) offsets(%dma_start3A_246 : memref<80xi32, #tpu.memory_space<vmem>>) semaphore(%dma_start3A_251 : memref<!tpu.dma_semaphore, #tpu.memory_space<semaphore_mem>>)
        } else {
        }
        %mul3A_221 = arith.constant 80 : i32
        %mul3A_222 = arith.muli %select_n3A_192, %mul3A_221 : i32
        %dma_wait3A_223 = arith.constant 0 : i32
        %dma_wait3A_224 = tpu.memref_slice %arg8[%mul3A_222, %dma_wait3A_223] : memref<240x128xf32, #tpu.memory_space<vmem>> -> memref<80x128xf32, #tpu.memory_space<vmem>>
        %dma_wait3A_225 = arith.constant 0 : i32
        %dma_wait3A_226 = tpu.memref_slice %arg6[%select_n3A_98, %scan3A_175, %dma_wait3A_225] : memref<2x25x80xi32, #tpu.memory_space<vmem>> -> memref<1x1x80xi32, #tpu.memory_space<vmem>>
        %dma_wait3A_227 = tpu.memref_squeeze %dma_wait3A_226 : memref<1x1x80xi32, #tpu.memory_space<vmem>> -> memref<80xi32, #tpu.memory_space<vmem>>
        %dma_wait3A_228 = arith.constant 0 : i32
        %dma_wait3A_229 = arith.constant 0 : i32
        %dma_wait3A_230 = tpu.memref_slice %arg2[%dma_wait3A_228, %dma_wait3A_229] : memref<50000x128xf32, #tpu.memory_space<hbm>> -> memref<50000x128xf32, #tpu.memory_space<hbm>>
        %dma_wait3A_231 = tpu.memref_slice %arg10[%select_n3A_192] : memref<3x!tpu.dma_semaphore, #tpu.memory_space<semaphore_mem>> -> memref<1x!tpu.dma_semaphore, #tpu.memory_space<semaphore_mem>>
        %dma_wait3A_232 = tpu.memref_squeeze %dma_wait3A_231 : memref<1x!tpu.dma_semaphore, #tpu.memory_space<semaphore_mem>> -> memref<!tpu.dma_semaphore, #tpu.memory_space<semaphore_mem>>
        tpu.wait_indirect_dma semaphore(%dma_wait3A_232 : memref<!tpu.dma_semaphore, #tpu.memory_space<semaphore_mem>>) src(%dma_wait3A_230 : memref<50000x128xf32, #tpu.memory_space<hbm>>) dst(%dma_wait3A_224 : memref<80x128xf32, #tpu.memory_space<vmem>>)
        %mul3A_233 = arith.constant 80 : i32
        %mul3A_234 = arith.muli %select_n3A_192, %mul3A_233 : i32
        "tpu.region"() ({
          %run_scoped3A = tpu.sem_alloc : memref<!tpu.dma_semaphore, #tpu.memory_space<semaphore_mem>>
          %dma_start3A_236 = arith.constant 0 : i32
          %dma_start3A_237 = tpu.memref_slice %arg8[%mul3A_234, %dma_start3A_236] : memref<240x128xf32, #tpu.memory_space<vmem>> -> memref<80x128xf32, #tpu.memory_space<vmem>>
          %dma_start3A_238 = arith.constant 0 : i32
          %dma_start3A_239 = tpu.memref_slice %arg7[%select_n3A_98, %scan3A_175, %dma_start3A_238] : memref<2x25x80xi32, #tpu.memory_space<vmem>> -> memref<1x1x80xi32, #tpu.memory_space<vmem>>
          %dma_start3A_240 = tpu.memref_squeeze %dma_start3A_239 : memref<1x1x80xi32, #tpu.memory_space<vmem>> -> memref<80xi32, #tpu.memory_space<vmem>>
          %dma_start3A_241 = arith.constant 0 : i32
          %dma_start3A_242 = arith.constant 0 : i32
          %dma_start3A_243 = tpu.memref_slice %arg9[%dma_start3A_241, %dma_start3A_242] : memref<10240x128xf32, #tpu.memory_space<vmem_shared>> -> memref<10240x128xf32, #tpu.memory_space<vmem_shared>>
          tpu.enqueue_indirect_dma source(%dma_start3A_237 : memref<80x128xf32, #tpu.memory_space<vmem>>) target(%dma_start3A_243 : memref<10240x128xf32, #tpu.memory_space<vmem_shared>>) offsets(%dma_start3A_240 : memref<80xi32, #tpu.memory_space<vmem>>) semaphore(%run_scoped3A : memref<!tpu.dma_semaphore, #tpu.memory_space<semaphore_mem>>) {add = true}
          %dma_wait3A_244 = arith.constant 0 : i32
          %dma_wait3A_245 = tpu.memref_slice %arg8[%mul3A_234, %dma_wait3A_244] : memref<240x128xf32, #tpu.memory_space<vmem>> -> memref<80x128xf32, #tpu.memory_space<vmem>>
          %dma_wait3A_246 = arith.constant 0 : i32
          %dma_wait3A_247 = tpu.memref_slice %arg7[%select_n3A_98, %scan3A_175, %dma_wait3A_246] : memref<2x25x80xi32, #tpu.memory_space<vmem>> -> memref<1x1x80xi32, #tpu.memory_space<vmem>>
          %dma_wait3A_248 = tpu.memref_squeeze %dma_wait3A_247 : memref<1x1x80xi32, #tpu.memory_space<vmem>> -> memref<80xi32, #tpu.memory_space<vmem>>
          %dma_wait3A_249 = arith.constant 0 : i32
          %dma_wait3A_250 = arith.constant 0 : i32
          %dma_wait3A_251 = tpu.memref_slice %arg9[%dma_wait3A_249, %dma_wait3A_250] : memref<10240x128xf32, #tpu.memory_space<vmem_shared>> -> memref<10240x128xf32, #tpu.memory_space<vmem_shared>>
          tpu.wait_indirect_dma semaphore(%run_scoped3A : memref<!tpu.dma_semaphore, #tpu.memory_space<semaphore_mem>>) src(%dma_wait3A_245 : memref<80x128xf32, #tpu.memory_space<vmem>>) dst(%dma_wait3A_251 : memref<10240x128xf32, #tpu.memory_space<vmem_shared>>)
          tpu.yield
        }) : () -> ()
        %scan3A_235 = arith.constant 0 : i32
        scf.yield %scan3A_235 : i32
      }
      %scan3A_173 = arith.constant 25 : i32
      %scan3A_174 = arith.constant 0 : i32
      scf.yield %scan3A_174 : i32
    }
    %scan3A_51 = arith.constant 5 : i32
    %barrier3A_52 = arith.constant 0 : index
    tpu.barrier barrier_id(%barrier3A_52)
    %mul3A_53 = arith.constant 640 : i32
    %mul3A_54 = arith.muli %arg1, %mul3A_53 : i32
    %add3A_55 = arith.constant 0 : i32
    %add3A_56 = arith.addi %mul3A_54, %add3A_55 : i32
    %mul3A_57 = arith.constant 10240 : i32
    %mul3A_58 = arith.muli %arg0, %mul3A_57 : i32
    %add3A_59 = arith.addi %mul3A_58, %add3A_56 : i32
    "tpu.region"() ({
      %run_scoped3A = tpu.sem_alloc : memref<!tpu.dma_semaphore, #tpu.memory_space<semaphore_mem>>
      %dma_start3A_88 = arith.constant 0 : i32
      %dma_start3A_89 = tpu.memref_slice %arg5[%add3A_59, %dma_start3A_88] : memref<20480x128xf32, #tpu.memory_space<hbm>> -> memref<128x128xf32, #tpu.memory_space<hbm>>
      %dma_start3A_90 = arith.constant 0 : i32
      %dma_start3A_91 = tpu.memref_slice %arg9[%add3A_56, %dma_start3A_90] : memref<10240x128xf32, #tpu.memory_space<vmem_shared>> -> memref<128x128xf32, #tpu.memory_space<vmem_shared>>
      tpu.enqueue_dma source(%dma_start3A_91 : memref<128x128xf32, #tpu.memory_space<vmem_shared>>) target(%dma_start3A_89 : memref<128x128xf32, #tpu.memory_space<hbm>>) target_semaphore(%run_scoped3A : memref<!tpu.dma_semaphore, #tpu.memory_space<semaphore_mem>>)
      %dma_wait3A = arith.constant 0 : i32
      %dma_wait3A_92 = tpu.memref_slice %arg5[%add3A_59, %dma_wait3A] : memref<20480x128xf32, #tpu.memory_space<hbm>> -> memref<128x128xf32, #tpu.memory_space<hbm>>
      %dma_wait3A_93 = arith.constant 0 : i32
      %dma_wait3A_94 = tpu.memref_slice %arg9[%add3A_56, %dma_wait3A_93] : memref<10240x128xf32, #tpu.memory_space<vmem_shared>> -> memref<128x128xf32, #tpu.memory_space<vmem_shared>>
      tpu.wait_dma2 semaphore(%run_scoped3A : memref<!tpu.dma_semaphore, #tpu.memory_space<semaphore_mem>>) src(%dma_wait3A_94 : memref<128x128xf32, #tpu.memory_space<vmem_shared>>) dst(%dma_wait3A_92 : memref<128x128xf32, #tpu.memory_space<hbm>>)
      tpu.yield
    }) : () -> ()
    %mul3A_60 = arith.constant 640 : i32
    %mul3A_61 = arith.muli %arg1, %mul3A_60 : i32
    %add3A_62 = arith.constant 128 : i32
    %add3A_63 = arith.addi %mul3A_61, %add3A_62 : i32
    %mul3A_64 = arith.constant 10240 : i32
    %mul3A_65 = arith.muli %arg0, %mul3A_64 : i32
    %add3A_66 = arith.addi %mul3A_65, %add3A_63 : i32
    "tpu.region"() ({
      %run_scoped3A = tpu.sem_alloc : memref<!tpu.dma_semaphore, #tpu.memory_space<semaphore_mem>>
      %dma_start3A_88 = arith.constant 0 : i32
      %dma_start3A_89 = tpu.memref_slice %arg5[%add3A_66, %dma_start3A_88] : memref<20480x128xf32, #tpu.memory_space<hbm>> -> memref<128x128xf32, #tpu.memory_space<hbm>>
      %dma_start3A_90 = arith.constant 0 : i32
      %dma_start3A_91 = tpu.memref_slice %arg9[%add3A_63, %dma_start3A_90] : memref<10240x128xf32, #tpu.memory_space<vmem_shared>> -> memref<128x128xf32, #tpu.memory_space<vmem_shared>>
      tpu.enqueue_dma source(%dma_start3A_91 : memref<128x128xf32, #tpu.memory_space<vmem_shared>>) target(%dma_start3A_89 : memref<128x128xf32, #tpu.memory_space<hbm>>) target_semaphore(%run_scoped3A : memref<!tpu.dma_semaphore, #tpu.memory_space<semaphore_mem>>)
      %dma_wait3A = arith.constant 0 : i32
      %dma_wait3A_92 = tpu.memref_slice %arg5[%add3A_66, %dma_wait3A] : memref<20480x128xf32, #tpu.memory_space<hbm>> -> memref<128x128xf32, #tpu.memory_space<hbm>>
      %dma_wait3A_93 = arith.constant 0 : i32
      %dma_wait3A_94 = tpu.memref_slice %arg9[%add3A_63, %dma_wait3A_93] : memref<10240x128xf32, #tpu.memory_space<vmem_shared>> -> memref<128x128xf32, #tpu.memory_space<vmem_shared>>
      tpu.wait_dma2 semaphore(%run_scoped3A : memref<!tpu.dma_semaphore, #tpu.memory_space<semaphore_mem>>) src(%dma_wait3A_94 : memref<128x128xf32, #tpu.memory_space<vmem_shared>>) dst(%dma_wait3A_92 : memref<128x128xf32, #tpu.memory_space<hbm>>)
      tpu.yield
    }) : () -> ()
    %mul3A_67 = arith.constant 640 : i32
    %mul3A_68 = arith.muli %arg1, %mul3A_67 : i32
    %add3A_69 = arith.constant 256 : i32
    %add3A_70 = arith.addi %mul3A_68, %add3A_69 : i32
    %mul3A_71 = arith.constant 10240 : i32
    %mul3A_72 = arith.muli %arg0, %mul3A_71 : i32
    %add3A_73 = arith.addi %mul3A_72, %add3A_70 : i32
    "tpu.region"() ({
      %run_scoped3A = tpu.sem_alloc : memref<!tpu.dma_semaphore, #tpu.memory_space<semaphore_mem>>
      %dma_start3A_88 = arith.constant 0 : i32
      %dma_start3A_89 = tpu.memref_slice %arg5[%add3A_73, %dma_start3A_88] : memref<20480x128xf32, #tpu.memory_space<hbm>> -> memref<128x128xf32, #tpu.memory_space<hbm>>
      %dma_start3A_90 = arith.constant 0 : i32
      %dma_start3A_91 = tpu.memref_slice %arg9[%add3A_70, %dma_start3A_90] : memref<10240x128xf32, #tpu.memory_space<vmem_shared>> -> memref<128x128xf32, #tpu.memory_space<vmem_shared>>
      tpu.enqueue_dma source(%dma_start3A_91 : memref<128x128xf32, #tpu.memory_space<vmem_shared>>) target(%dma_start3A_89 : memref<128x128xf32, #tpu.memory_space<hbm>>) target_semaphore(%run_scoped3A : memref<!tpu.dma_semaphore, #tpu.memory_space<semaphore_mem>>)
      %dma_wait3A = arith.constant 0 : i32
      %dma_wait3A_92 = tpu.memref_slice %arg5[%add3A_73, %dma_wait3A] : memref<20480x128xf32, #tpu.memory_space<hbm>> -> memref<128x128xf32, #tpu.memory_space<hbm>>
      %dma_wait3A_93 = arith.constant 0 : i32
      %dma_wait3A_94 = tpu.memref_slice %arg9[%add3A_70, %dma_wait3A_93] : memref<10240x128xf32, #tpu.memory_space<vmem_shared>> -> memref<128x128xf32, #tpu.memory_space<vmem_shared>>
      tpu.wait_dma2 semaphore(%run_scoped3A : memref<!tpu.dma_semaphore, #tpu.memory_space<semaphore_mem>>) src(%dma_wait3A_94 : memref<128x128xf32, #tpu.memory_space<vmem_shared>>) dst(%dma_wait3A_92 : memref<128x128xf32, #tpu.memory_space<hbm>>)
      tpu.yield
    }) : () -> ()
    %mul3A_74 = arith.constant 640 : i32
    %mul3A_75 = arith.muli %arg1, %mul3A_74 : i32
    %add3A_76 = arith.constant 384 : i32
    %add3A_77 = arith.addi %mul3A_75, %add3A_76 : i32
    %mul3A_78 = arith.constant 10240 : i32
    %mul3A_79 = arith.muli %arg0, %mul3A_78 : i32
    %add3A_80 = arith.addi %mul3A_79, %add3A_77 : i32
    "tpu.region"() ({
      %run_scoped3A = tpu.sem_alloc : memref<!tpu.dma_semaphore, #tpu.memory_space<semaphore_mem>>
      %dma_start3A_88 = arith.constant 0 : i32
      %dma_start3A_89 = tpu.memref_slice %arg5[%add3A_80, %dma_start3A_88] : memref<20480x128xf32, #tpu.memory_space<hbm>> -> memref<128x128xf32, #tpu.memory_space<hbm>>
      %dma_start3A_90 = arith.constant 0 : i32
      %dma_start3A_91 = tpu.memref_slice %arg9[%add3A_77, %dma_start3A_90] : memref<10240x128xf32, #tpu.memory_space<vmem_shared>> -> memref<128x128xf32, #tpu.memory_space<vmem_shared>>
      tpu.enqueue_dma source(%dma_start3A_91 : memref<128x128xf32, #tpu.memory_space<vmem_shared>>) target(%dma_start3A_89 : memref<128x128xf32, #tpu.memory_space<hbm>>) target_semaphore(%run_scoped3A : memref<!tpu.dma_semaphore, #tpu.memory_space<semaphore_mem>>)
      %dma_wait3A = arith.constant 0 : i32
      %dma_wait3A_92 = tpu.memref_slice %arg5[%add3A_80, %dma_wait3A] : memref<20480x128xf32, #tpu.memory_space<hbm>> -> memref<128x128xf32, #tpu.memory_space<hbm>>
      %dma_wait3A_93 = arith.constant 0 : i32
      %dma_wait3A_94 = tpu.memref_slice %arg9[%add3A_77, %dma_wait3A_93] : memref<10240x128xf32, #tpu.memory_space<vmem_shared>> -> memref<128x128xf32, #tpu.memory_space<vmem_shared>>
      tpu.wait_dma2 semaphore(%run_scoped3A : memref<!tpu.dma_semaphore, #tpu.memory_space<semaphore_mem>>) src(%dma_wait3A_94 : memref<128x128xf32, #tpu.memory_space<vmem_shared>>) dst(%dma_wait3A_92 : memref<128x128xf32, #tpu.memory_space<hbm>>)
      tpu.yield
    }) : () -> ()
    %mul3A_81 = arith.constant 640 : i32
    %mul3A_82 = arith.muli %arg1, %mul3A_81 : i32
    %add3A_83 = arith.constant 512 : i32
    %add3A_84 = arith.addi %mul3A_82, %add3A_83 : i32
    %mul3A_85 = arith.constant 10240 : i32
    %mul3A_86 = arith.muli %arg0, %mul3A_85 : i32
    %add3A_87 = arith.addi %mul3A_86, %add3A_84 : i32
    "tpu.region"() ({
      %run_scoped3A = tpu.sem_alloc : memref<!tpu.dma_semaphore, #tpu.memory_space<semaphore_mem>>
      %dma_start3A_88 = arith.constant 0 : i32
      %dma_start3A_89 = tpu.memref_slice %arg5[%add3A_87, %dma_start3A_88] : memref<20480x128xf32, #tpu.memory_space<hbm>> -> memref<128x128xf32, #tpu.memory_space<hbm>>
      %dma_start3A_90 = arith.constant 0 : i32
      %dma_start3A_91 = tpu.memref_slice %arg9[%add3A_84, %dma_start3A_90] : memref<10240x128xf32, #tpu.memory_space<vmem_shared>> -> memref<128x128xf32, #tpu.memory_space<vmem_shared>>
      tpu.enqueue_dma source(%dma_start3A_91 : memref<128x128xf32, #tpu.memory_space<vmem_shared>>) target(%dma_start3A_89 : memref<128x128xf32, #tpu.memory_space<hbm>>) target_semaphore(%run_scoped3A : memref<!tpu.dma_semaphore, #tpu.memory_space<semaphore_mem>>)
      %dma_wait3A = arith.constant 0 : i32
      %dma_wait3A_92 = tpu.memref_slice %arg5[%add3A_87, %dma_wait3A] : memref<20480x128xf32, #tpu.memory_space<hbm>> -> memref<128x128xf32, #tpu.memory_space<hbm>>
      %dma_wait3A_93 = arith.constant 0 : i32
      %dma_wait3A_94 = tpu.memref_slice %arg9[%add3A_84, %dma_wait3A_93] : memref<10240x128xf32, #tpu.memory_space<vmem_shared>> -> memref<128x128xf32, #tpu.memory_space<vmem_shared>>
      tpu.wait_dma2 semaphore(%run_scoped3A : memref<!tpu.dma_semaphore, #tpu.memory_space<semaphore_mem>>) src(%dma_wait3A_94 : memref<128x128xf32, #tpu.memory_space<vmem_shared>>) dst(%dma_wait3A_92 : memref<128x128xf32, #tpu.memory_space<hbm>>)
      tpu.yield
    }) : () -> ()
    return
  }
}

#map = affine_map<(d0, d1) -> (0, 0)>
#map1 = affine_map<(d0, d1) -> (0, 0, 0, 0, 0)>
module attributes {stable_mosaic.version = 14 : i64} {
  func.func @segsum(%arg0: i32, %arg1: i32, %arg2: memref<10000x128xf32, #tpu.memory_space<hbm>>, %arg3: memref<2x32x1x25x80xi32, #tpu.memory_space<hbm>>, %arg4: memref<128x128xf32, #tpu.memory_space<hbm>>, %arg5: memref<4096x128xf32, #tpu.memory_space<hbm>>, %arg6: memref<2x25x80xi32, #tpu.memory_space<vmem>>, %arg7: memref<2x25x80xi32, #tpu.memory_space<vmem>>, %arg8: memref<240x128xf32, #tpu.memory_space<vmem>>, %arg9: memref<2048x128xf32, #tpu.memory_space<vmem_shared>>, %arg10: memref<3x!tpu.dma_semaphore, #tpu.memory_space<semaphore_mem>>, %arg11: memref<2x!tpu.dma_semaphore, #tpu.memory_space<semaphore_mem>>) attributes {dimension_semantics = [#tpu.dimension_semantics<core_parallel>, #tpu.dimension_semantics<subcore_parallel>], iteration_bounds = array<i64: 2, 16>, scalar_prefetch = 0 : i64, scratch_operands = 6 : i64, tpu.core_type = #tpu.core_type<sc_vector_subcore>, window_params = [{transform_indices = #map}, {transform_indices = #map1}, {transform_indices = #map}, {transform_indices = #map}]} {
    %mul3A = arith.constant 2 : i32
    %mul3A_0 = arith.muli %arg1, %mul3A : i32
    %add3A = arith.addi %mul3A_0, %arg0 : i32
    %mul3A_1 = arith.constant 128 : i32
    %mul3A_2 = arith.muli %arg1, %mul3A_1 : i32
    "tpu.region"() ({
      %run_scoped3A = tpu.sem_alloc : memref<!tpu.dma_semaphore, #tpu.memory_space<semaphore_mem>>
      %dma_start3A_141 = arith.constant 0 : i32
      %dma_start3A_142 = tpu.memref_slice %arg9[%mul3A_2, %dma_start3A_141] : memref<2048x128xf32, #tpu.memory_space<vmem_shared>> -> memref<128x128xf32, #tpu.memory_space<vmem_shared>>
      tpu.enqueue_dma source(%arg4 : memref<128x128xf32, #tpu.memory_space<hbm>>) target(%dma_start3A_142 : memref<128x128xf32, #tpu.memory_space<vmem_shared>>) target_semaphore(%run_scoped3A : memref<!tpu.dma_semaphore, #tpu.memory_space<semaphore_mem>>)
      %dma_wait3A_143 = arith.constant 0 : i32
      %dma_wait3A_144 = tpu.memref_slice %arg9[%mul3A_2, %dma_wait3A_143] : memref<2048x128xf32, #tpu.memory_space<vmem_shared>> -> memref<128x128xf32, #tpu.memory_space<vmem_shared>>
      tpu.wait_dma2 semaphore(%run_scoped3A : memref<!tpu.dma_semaphore, #tpu.memory_space<semaphore_mem>>) src(%arg4 : memref<128x128xf32, #tpu.memory_space<hbm>>) dst(%dma_wait3A_144 : memref<128x128xf32, #tpu.memory_space<vmem_shared>>)
      tpu.yield
    }) : () -> ()
    %barrier3A = arith.constant 0 : index
    tpu.barrier barrier_id(%barrier3A)
    %dma_start3A = arith.constant 0 : i32
    %dma_start3A_3 = arith.constant 0 : i32
    %dma_start3A_4 = arith.constant 0 : i32
    %dma_start3A_5 = arith.constant 0 : i32
    %dma_start3A_6 = arith.constant 0 : i32
    %dma_start3A_7 = arith.constant 0 : i32
    %dma_start3A_8 = tpu.memref_slice %arg6[%dma_start3A_4, %dma_start3A_6, %dma_start3A_7] : memref<2x25x80xi32, #tpu.memory_space<vmem>> -> memref<1x25x80xi32, #tpu.memory_space<vmem>>
    %dma_start3A_9 = tpu.memref_squeeze %dma_start3A_8 : memref<1x25x80xi32, #tpu.memory_space<vmem>> -> memref<25x80xi32, #tpu.memory_space<vmem>>
    %dma_start3A_10 = arith.constant 0 : i32
    %dma_start3A_11 = arith.constant 0 : i32
    %dma_start3A_12 = tpu.memref_slice %arg3[%dma_start3A, %add3A, %dma_start3A_3, %dma_start3A_10, %dma_start3A_11] : memref<2x32x1x25x80xi32, #tpu.memory_space<hbm>> -> memref<1x1x1x25x80xi32, #tpu.memory_space<hbm>>
    %dma_start3A_13 = tpu.memref_squeeze %dma_start3A_12 : memref<1x1x1x25x80xi32, #tpu.memory_space<hbm>> -> memref<25x80xi32, #tpu.memory_space<hbm>>
    %dma_start3A_14 = tpu.memref_slice %arg11[%dma_start3A_5] : memref<2x!tpu.dma_semaphore, #tpu.memory_space<semaphore_mem>> -> memref<1x!tpu.dma_semaphore, #tpu.memory_space<semaphore_mem>>
    %dma_start3A_15 = tpu.memref_squeeze %dma_start3A_14 : memref<1x!tpu.dma_semaphore, #tpu.memory_space<semaphore_mem>> -> memref<!tpu.dma_semaphore, #tpu.memory_space<semaphore_mem>>
    %dma_start3A_16 = arith.constant 0 : i32
    %dma_start3A_17 = arith.constant 0 : i32
    %dma_start3A_18 = tpu.memref_slice %arg6[%dma_start3A_4, %dma_start3A_16, %dma_start3A_17] : memref<2x25x80xi32, #tpu.memory_space<vmem>> -> memref<1x25x80xi32, #tpu.memory_space<vmem>>
    %dma_start3A_19 = tpu.memref_squeeze %dma_start3A_18 : memref<1x25x80xi32, #tpu.memory_space<vmem>> -> memref<25x80xi32, #tpu.memory_space<vmem>>
    %dma_start3A_20 = arith.constant 0 : i32
    %dma_start3A_21 = arith.constant 0 : i32
    %dma_start3A_22 = tpu.memref_slice %arg3[%dma_start3A, %add3A, %dma_start3A_3, %dma_start3A_20, %dma_start3A_21] : memref<2x32x1x25x80xi32, #tpu.memory_space<hbm>> -> memref<1x1x1x25x80xi32, #tpu.memory_space<hbm>>
    %dma_start3A_23 = tpu.memref_squeeze %dma_start3A_22 : memref<1x1x1x25x80xi32, #tpu.memory_space<hbm>> -> memref<25x80xi32, #tpu.memory_space<hbm>>
    tpu.enqueue_dma source(%dma_start3A_23 : memref<25x80xi32, #tpu.memory_space<hbm>>) target(%dma_start3A_19 : memref<25x80xi32, #tpu.memory_space<vmem>>) target_semaphore(%dma_start3A_15 : memref<!tpu.dma_semaphore, #tpu.memory_space<semaphore_mem>>)
    %dma_start3A_24 = arith.constant 1 : i32
    %dma_start3A_25 = arith.constant 0 : i32
    %dma_start3A_26 = arith.constant 0 : i32
    %dma_start3A_27 = arith.constant 0 : i32
    %dma_start3A_28 = arith.constant 0 : i32
    %dma_start3A_29 = arith.constant 0 : i32
    %dma_start3A_30 = tpu.memref_slice %arg7[%dma_start3A_26, %dma_start3A_28, %dma_start3A_29] : memref<2x25x80xi32, #tpu.memory_space<vmem>> -> memref<1x25x80xi32, #tpu.memory_space<vmem>>
    %dma_start3A_31 = tpu.memref_squeeze %dma_start3A_30 : memref<1x25x80xi32, #tpu.memory_space<vmem>> -> memref<25x80xi32, #tpu.memory_space<vmem>>
    %dma_start3A_32 = arith.constant 0 : i32
    %dma_start3A_33 = arith.constant 0 : i32
    %dma_start3A_34 = tpu.memref_slice %arg3[%dma_start3A_24, %add3A, %dma_start3A_25, %dma_start3A_32, %dma_start3A_33] : memref<2x32x1x25x80xi32, #tpu.memory_space<hbm>> -> memref<1x1x1x25x80xi32, #tpu.memory_space<hbm>>
    %dma_start3A_35 = tpu.memref_squeeze %dma_start3A_34 : memref<1x1x1x25x80xi32, #tpu.memory_space<hbm>> -> memref<25x80xi32, #tpu.memory_space<hbm>>
    %dma_start3A_36 = tpu.memref_slice %arg11[%dma_start3A_27] : memref<2x!tpu.dma_semaphore, #tpu.memory_space<semaphore_mem>> -> memref<1x!tpu.dma_semaphore, #tpu.memory_space<semaphore_mem>>
    %dma_start3A_37 = tpu.memref_squeeze %dma_start3A_36 : memref<1x!tpu.dma_semaphore, #tpu.memory_space<semaphore_mem>> -> memref<!tpu.dma_semaphore, #tpu.memory_space<semaphore_mem>>
    %dma_start3A_38 = arith.constant 0 : i32
    %dma_start3A_39 = arith.constant 0 : i32
    %dma_start3A_40 = tpu.memref_slice %arg7[%dma_start3A_26, %dma_start3A_38, %dma_start3A_39] : memref<2x25x80xi32, #tpu.memory_space<vmem>> -> memref<1x25x80xi32, #tpu.memory_space<vmem>>
    %dma_start3A_41 = tpu.memref_squeeze %dma_start3A_40 : memref<1x25x80xi32, #tpu.memory_space<vmem>> -> memref<25x80xi32, #tpu.memory_space<vmem>>
    %dma_start3A_42 = arith.constant 0 : i32
    %dma_start3A_43 = arith.constant 0 : i32
    %dma_start3A_44 = tpu.memref_slice %arg3[%dma_start3A_24, %add3A, %dma_start3A_25, %dma_start3A_42, %dma_start3A_43] : memref<2x32x1x25x80xi32, #tpu.memory_space<hbm>> -> memref<1x1x1x25x80xi32, #tpu.memory_space<hbm>>
    %dma_start3A_45 = tpu.memref_squeeze %dma_start3A_44 : memref<1x1x1x25x80xi32, #tpu.memory_space<hbm>> -> memref<25x80xi32, #tpu.memory_space<hbm>>
    tpu.enqueue_dma source(%dma_start3A_45 : memref<25x80xi32, #tpu.memory_space<hbm>>) target(%dma_start3A_41 : memref<25x80xi32, #tpu.memory_space<vmem>>) target_semaphore(%dma_start3A_37 : memref<!tpu.dma_semaphore, #tpu.memory_space<semaphore_mem>>)
    %scan3A = arith.constant 0 : i32
    %scan3A_46 = arith.constant 0 : i32
    %jit3A = arith.constant 2 : i32
    %eq3A = arith.constant 0 : i32
    %eq3A_47 = arith.cmpi eq, %jit3A, %eq3A : i32
    %jit3A_48 = arith.constant 1 : i32
    %select_n3A = arith.select %eq3A_47, %jit3A_48, %jit3A : i32
    %rem3A = arith.remsi %scan3A_46, %select_n3A : i32
    %ne3A = arith.constant 0 : i32
    %ne3A_49 = arith.cmpi ne, %rem3A, %ne3A : i32
    %lt3A = arith.constant 0 : i32
    %lt3A_50 = arith.cmpi slt, %rem3A, %lt3A : i32
    %lt3A_51 = arith.constant 0 : i32
    %lt3A_52 = arith.cmpi slt, %select_n3A, %lt3A_51 : i32
    %ne3A_53 = arith.xori %lt3A_50, %lt3A_52 : i1
    %and3A = arith.andi %ne3A_53, %ne3A_49 : i1
    %add3A_54 = arith.addi %rem3A, %select_n3A : i32
    %select_n3A_55 = arith.select %and3A, %add3A_54, %rem3A : i32
    %add3A_56 = arith.constant 1 : i32
    %add3A_57 = arith.addi %scan3A_46, %add3A_56 : i32
    %lt3A_58 = arith.constant 1 : i32
    %lt3A_59 = arith.cmpi slt, %add3A_57, %lt3A_58 : i32
    %convert_element_type3A = arith.extui %lt3A_59 : i1 to i32
    %cond3A = arith.constant 0 : i32
    %cond3A_60 = arith.cmpi ne, %convert_element_type3A, %cond3A : i32
    scf.if %cond3A_60 {
      %add3A_141 = arith.constant 1 : i32
      %add3A_142 = arith.addi %scan3A_46, %add3A_141 : i32
      %sub3A = arith.constant 1 : i32
      %sub3A_143 = arith.subi %sub3A, %select_n3A_55 : i32
      %dma_start3A_144 = arith.constant 0 : i32
      %dma_start3A_145 = arith.constant 0 : i32
      %dma_start3A_146 = arith.constant 0 : i32
      %dma_start3A_147 = tpu.memref_slice %arg6[%sub3A_143, %dma_start3A_145, %dma_start3A_146] : memref<2x25x80xi32, #tpu.memory_space<vmem>> -> memref<1x25x80xi32, #tpu.memory_space<vmem>>
      %dma_start3A_148 = tpu.memref_squeeze %dma_start3A_147 : memref<1x25x80xi32, #tpu.memory_space<vmem>> -> memref<25x80xi32, #tpu.memory_space<vmem>>
      %dma_start3A_149 = arith.constant 0 : i32
      %dma_start3A_150 = arith.constant 0 : i32
      %dma_start3A_151 = tpu.memref_slice %arg3[%dma_start3A_144, %add3A, %add3A_142, %dma_start3A_149, %dma_start3A_150] : memref<2x32x1x25x80xi32, #tpu.memory_space<hbm>> -> memref<1x1x1x25x80xi32, #tpu.memory_space<hbm>>
      %dma_start3A_152 = tpu.memref_squeeze %dma_start3A_151 : memref<1x1x1x25x80xi32, #tpu.memory_space<hbm>> -> memref<25x80xi32, #tpu.memory_space<hbm>>
      %dma_start3A_153 = tpu.memref_slice %arg11[%sub3A_143] : memref<2x!tpu.dma_semaphore, #tpu.memory_space<semaphore_mem>> -> memref<1x!tpu.dma_semaphore, #tpu.memory_space<semaphore_mem>>
      %dma_start3A_154 = tpu.memref_squeeze %dma_start3A_153 : memref<1x!tpu.dma_semaphore, #tpu.memory_space<semaphore_mem>> -> memref<!tpu.dma_semaphore, #tpu.memory_space<semaphore_mem>>
      %dma_start3A_155 = arith.constant 0 : i32
      %dma_start3A_156 = arith.constant 0 : i32
      %dma_start3A_157 = tpu.memref_slice %arg6[%sub3A_143, %dma_start3A_155, %dma_start3A_156] : memref<2x25x80xi32, #tpu.memory_space<vmem>> -> memref<1x25x80xi32, #tpu.memory_space<vmem>>
      %dma_start3A_158 = tpu.memref_squeeze %dma_start3A_157 : memref<1x25x80xi32, #tpu.memory_space<vmem>> -> memref<25x80xi32, #tpu.memory_space<vmem>>
      %dma_start3A_159 = arith.constant 0 : i32
      %dma_start3A_160 = arith.constant 0 : i32
      %dma_start3A_161 = tpu.memref_slice %arg3[%dma_start3A_144, %add3A, %add3A_142, %dma_start3A_159, %dma_start3A_160] : memref<2x32x1x25x80xi32, #tpu.memory_space<hbm>> -> memref<1x1x1x25x80xi32, #tpu.memory_space<hbm>>
      %dma_start3A_162 = tpu.memref_squeeze %dma_start3A_161 : memref<1x1x1x25x80xi32, #tpu.memory_space<hbm>> -> memref<25x80xi32, #tpu.memory_space<hbm>>
      tpu.enqueue_dma source(%dma_start3A_162 : memref<25x80xi32, #tpu.memory_space<hbm>>) target(%dma_start3A_158 : memref<25x80xi32, #tpu.memory_space<vmem>>) target_semaphore(%dma_start3A_154 : memref<!tpu.dma_semaphore, #tpu.memory_space<semaphore_mem>>)
      %dma_start3A_163 = arith.constant 1 : i32
      %dma_start3A_164 = arith.constant 0 : i32
      %dma_start3A_165 = arith.constant 0 : i32
      %dma_start3A_166 = tpu.memref_slice %arg7[%sub3A_143, %dma_start3A_164, %dma_start3A_165] : memref<2x25x80xi32, #tpu.memory_space<vmem>> -> memref<1x25x80xi32, #tpu.memory_space<vmem>>
      %dma_start3A_167 = tpu.memref_squeeze %dma_start3A_166 : memref<1x25x80xi32, #tpu.memory_space<vmem>> -> memref<25x80xi32, #tpu.memory_space<vmem>>
      %dma_start3A_168 = arith.constant 0 : i32
      %dma_start3A_169 = arith.constant 0 : i32
      %dma_start3A_170 = tpu.memref_slice %arg3[%dma_start3A_163, %add3A, %add3A_142, %dma_start3A_168, %dma_start3A_169] : memref<2x32x1x25x80xi32, #tpu.memory_space<hbm>> -> memref<1x1x1x25x80xi32, #tpu.memory_space<hbm>>
      %dma_start3A_171 = tpu.memref_squeeze %dma_start3A_170 : memref<1x1x1x25x80xi32, #tpu.memory_space<hbm>> -> memref<25x80xi32, #tpu.memory_space<hbm>>
      %dma_start3A_172 = tpu.memref_slice %arg11[%sub3A_143] : memref<2x!tpu.dma_semaphore, #tpu.memory_space<semaphore_mem>> -> memref<1x!tpu.dma_semaphore, #tpu.memory_space<semaphore_mem>>
      %dma_start3A_173 = tpu.memref_squeeze %dma_start3A_172 : memref<1x!tpu.dma_semaphore, #tpu.memory_space<semaphore_mem>> -> memref<!tpu.dma_semaphore, #tpu.memory_space<semaphore_mem>>
      %dma_start3A_174 = arith.constant 0 : i32
      %dma_start3A_175 = arith.constant 0 : i32
      %dma_start3A_176 = tpu.memref_slice %arg7[%sub3A_143, %dma_start3A_174, %dma_start3A_175] : memref<2x25x80xi32, #tpu.memory_space<vmem>> -> memref<1x25x80xi32, #tpu.memory_space<vmem>>
      %dma_start3A_177 = tpu.memref_squeeze %dma_start3A_176 : memref<1x25x80xi32, #tpu.memory_space<vmem>> -> memref<25x80xi32, #tpu.memory_space<vmem>>
      %dma_start3A_178 = arith.constant 0 : i32
      %dma_start3A_179 = arith.constant 0 : i32
      %dma_start3A_180 = tpu.memref_slice %arg3[%dma_start3A_163, %add3A, %add3A_142, %dma_start3A_178, %dma_start3A_179] : memref<2x32x1x25x80xi32, #tpu.memory_space<hbm>> -> memref<1x1x1x25x80xi32, #tpu.memory_space<hbm>>
      %dma_start3A_181 = tpu.memref_squeeze %dma_start3A_180 : memref<1x1x1x25x80xi32, #tpu.memory_space<hbm>> -> memref<25x80xi32, #tpu.memory_space<hbm>>
      tpu.enqueue_dma source(%dma_start3A_181 : memref<25x80xi32, #tpu.memory_space<hbm>>) target(%dma_start3A_177 : memref<25x80xi32, #tpu.memory_space<vmem>>) target_semaphore(%dma_start3A_173 : memref<!tpu.dma_semaphore, #tpu.memory_space<semaphore_mem>>)
    } else {
    }
    %dma_wait3A = arith.constant 0 : i32
    %dma_wait3A_61 = arith.constant 0 : i32
    %dma_wait3A_62 = arith.constant 0 : i32
    %dma_wait3A_63 = tpu.memref_slice %arg6[%select_n3A_55, %dma_wait3A_61, %dma_wait3A_62] : memref<2x25x80xi32, #tpu.memory_space<vmem>> -> memref<1x25x80xi32, #tpu.memory_space<vmem>>
    %dma_wait3A_64 = tpu.memref_squeeze %dma_wait3A_63 : memref<1x25x80xi32, #tpu.memory_space<vmem>> -> memref<25x80xi32, #tpu.memory_space<vmem>>
    %dma_wait3A_65 = arith.constant 0 : i32
    %dma_wait3A_66 = arith.constant 0 : i32
    %dma_wait3A_67 = tpu.memref_slice %arg3[%dma_wait3A, %add3A, %scan3A_46, %dma_wait3A_65, %dma_wait3A_66] : memref<2x32x1x25x80xi32, #tpu.memory_space<hbm>> -> memref<1x1x1x25x80xi32, #tpu.memory_space<hbm>>
    %dma_wait3A_68 = tpu.memref_squeeze %dma_wait3A_67 : memref<1x1x1x25x80xi32, #tpu.memory_space<hbm>> -> memref<25x80xi32, #tpu.memory_space<hbm>>
    %dma_wait3A_69 = tpu.memref_slice %arg11[%select_n3A_55] : memref<2x!tpu.dma_semaphore, #tpu.memory_space<semaphore_mem>> -> memref<1x!tpu.dma_semaphore, #tpu.memory_space<semaphore_mem>>
    %dma_wait3A_70 = tpu.memref_squeeze %dma_wait3A_69 : memref<1x!tpu.dma_semaphore, #tpu.memory_space<semaphore_mem>> -> memref<!tpu.dma_semaphore, #tpu.memory_space<semaphore_mem>>
    %dma_wait3A_71 = arith.constant 0 : i32
    %dma_wait3A_72 = arith.constant 0 : i32
    %dma_wait3A_73 = tpu.memref_slice %arg6[%select_n3A_55, %dma_wait3A_71, %dma_wait3A_72] : memref<2x25x80xi32, #tpu.memory_space<vmem>> -> memref<1x25x80xi32, #tpu.memory_space<vmem>>
    %dma_wait3A_74 = tpu.memref_squeeze %dma_wait3A_73 : memref<1x25x80xi32, #tpu.memory_space<vmem>> -> memref<25x80xi32, #tpu.memory_space<vmem>>
    %dma_wait3A_75 = arith.constant 0 : i32
    %dma_wait3A_76 = arith.constant 0 : i32
    %dma_wait3A_77 = tpu.memref_slice %arg3[%dma_wait3A, %add3A, %scan3A_46, %dma_wait3A_75, %dma_wait3A_76] : memref<2x32x1x25x80xi32, #tpu.memory_space<hbm>> -> memref<1x1x1x25x80xi32, #tpu.memory_space<hbm>>
    %dma_wait3A_78 = tpu.memref_squeeze %dma_wait3A_77 : memref<1x1x1x25x80xi32, #tpu.memory_space<hbm>> -> memref<25x80xi32, #tpu.memory_space<hbm>>
    tpu.wait_dma2 semaphore(%dma_wait3A_70 : memref<!tpu.dma_semaphore, #tpu.memory_space<semaphore_mem>>) src(%dma_wait3A_78 : memref<25x80xi32, #tpu.memory_space<hbm>>) dst(%dma_wait3A_74 : memref<25x80xi32, #tpu.memory_space<vmem>>)
    %dma_wait3A_79 = arith.constant 1 : i32
    %dma_wait3A_80 = arith.constant 0 : i32
    %dma_wait3A_81 = arith.constant 0 : i32
    %dma_wait3A_82 = tpu.memref_slice %arg7[%select_n3A_55, %dma_wait3A_80, %dma_wait3A_81] : memref<2x25x80xi32, #tpu.memory_space<vmem>> -> memref<1x25x80xi32, #tpu.memory_space<vmem>>
    %dma_wait3A_83 = tpu.memref_squeeze %dma_wait3A_82 : memref<1x25x80xi32, #tpu.memory_space<vmem>> -> memref<25x80xi32, #tpu.memory_space<vmem>>
    %dma_wait3A_84 = arith.constant 0 : i32
    %dma_wait3A_85 = arith.constant 0 : i32
    %dma_wait3A_86 = tpu.memref_slice %arg3[%dma_wait3A_79, %add3A, %scan3A_46, %dma_wait3A_84, %dma_wait3A_85] : memref<2x32x1x25x80xi32, #tpu.memory_space<hbm>> -> memref<1x1x1x25x80xi32, #tpu.memory_space<hbm>>
    %dma_wait3A_87 = tpu.memref_squeeze %dma_wait3A_86 : memref<1x1x1x25x80xi32, #tpu.memory_space<hbm>> -> memref<25x80xi32, #tpu.memory_space<hbm>>
    %dma_wait3A_88 = tpu.memref_slice %arg11[%select_n3A_55] : memref<2x!tpu.dma_semaphore, #tpu.memory_space<semaphore_mem>> -> memref<1x!tpu.dma_semaphore, #tpu.memory_space<semaphore_mem>>
    %dma_wait3A_89 = tpu.memref_squeeze %dma_wait3A_88 : memref<1x!tpu.dma_semaphore, #tpu.memory_space<semaphore_mem>> -> memref<!tpu.dma_semaphore, #tpu.memory_space<semaphore_mem>>
    %dma_wait3A_90 = arith.constant 0 : i32
    %dma_wait3A_91 = arith.constant 0 : i32
    %dma_wait3A_92 = tpu.memref_slice %arg7[%select_n3A_55, %dma_wait3A_90, %dma_wait3A_91] : memref<2x25x80xi32, #tpu.memory_space<vmem>> -> memref<1x25x80xi32, #tpu.memory_space<vmem>>
    %dma_wait3A_93 = tpu.memref_squeeze %dma_wait3A_92 : memref<1x25x80xi32, #tpu.memory_space<vmem>> -> memref<25x80xi32, #tpu.memory_space<vmem>>
    %dma_wait3A_94 = arith.constant 0 : i32
    %dma_wait3A_95 = arith.constant 0 : i32
    %dma_wait3A_96 = tpu.memref_slice %arg3[%dma_wait3A_79, %add3A, %scan3A_46, %dma_wait3A_94, %dma_wait3A_95] : memref<2x32x1x25x80xi32, #tpu.memory_space<hbm>> -> memref<1x1x1x25x80xi32, #tpu.memory_space<hbm>>
    %dma_wait3A_97 = tpu.memref_squeeze %dma_wait3A_96 : memref<1x1x1x25x80xi32, #tpu.memory_space<hbm>> -> memref<25x80xi32, #tpu.memory_space<hbm>>
    tpu.wait_dma2 semaphore(%dma_wait3A_89 : memref<!tpu.dma_semaphore, #tpu.memory_space<semaphore_mem>>) src(%dma_wait3A_97 : memref<25x80xi32, #tpu.memory_space<hbm>>) dst(%dma_wait3A_93 : memref<25x80xi32, #tpu.memory_space<vmem>>)
    %dma_start3A_98 = arith.constant 0 : i32
    %dma_start3A_99 = arith.constant 0 : i32
    %dma_start3A_100 = arith.constant 0 : i32
    %dma_start3A_101 = arith.constant 0 : i32
    %dma_start3A_102 = tpu.memref_slice %arg8[%dma_start3A_100, %dma_start3A_101] : memref<240x128xf32, #tpu.memory_space<vmem>> -> memref<80x128xf32, #tpu.memory_space<vmem>>
    %dma_start3A_103 = arith.constant 0 : i32
    %dma_start3A_104 = tpu.memref_slice %arg6[%select_n3A_55, %dma_start3A_98, %dma_start3A_103] : memref<2x25x80xi32, #tpu.memory_space<vmem>> -> memref<1x1x80xi32, #tpu.memory_space<vmem>>
    %dma_start3A_105 = tpu.memref_squeeze %dma_start3A_104 : memref<1x1x80xi32, #tpu.memory_space<vmem>> -> memref<80xi32, #tpu.memory_space<vmem>>
    %dma_start3A_106 = arith.constant 0 : i32
    %dma_start3A_107 = arith.constant 0 : i32
    %dma_start3A_108 = tpu.memref_slice %arg2[%dma_start3A_106, %dma_start3A_107] : memref<10000x128xf32, #tpu.memory_space<hbm>> -> memref<10000x128xf32, #tpu.memory_space<hbm>>
    %dma_start3A_109 = tpu.memref_slice %arg10[%dma_start3A_99] : memref<3x!tpu.dma_semaphore, #tpu.memory_space<semaphore_mem>> -> memref<1x!tpu.dma_semaphore, #tpu.memory_space<semaphore_mem>>
    %dma_start3A_110 = tpu.memref_squeeze %dma_start3A_109 : memref<1x!tpu.dma_semaphore, #tpu.memory_space<semaphore_mem>> -> memref<!tpu.dma_semaphore, #tpu.memory_space<semaphore_mem>>
    tpu.enqueue_indirect_dma source(%dma_start3A_108 : memref<10000x128xf32, #tpu.memory_space<hbm>>) target(%dma_start3A_102 : memref<80x128xf32, #tpu.memory_space<vmem>>) offsets(%dma_start3A_105 : memref<80xi32, #tpu.memory_space<vmem>>) semaphore(%dma_start3A_110 : memref<!tpu.dma_semaphore, #tpu.memory_space<semaphore_mem>>)
    %dma_start3A_111 = arith.constant 1 : i32
    %dma_start3A_112 = arith.constant 1 : i32
    %dma_start3A_113 = arith.constant 80 : i32
    %dma_start3A_114 = arith.constant 0 : i32
    %dma_start3A_115 = tpu.memref_slice %arg8[%dma_start3A_113, %dma_start3A_114] : memref<240x128xf32, #tpu.memory_space<vmem>> -> memref<80x128xf32, #tpu.memory_space<vmem>>
    %dma_start3A_116 = arith.constant 0 : i32
    %dma_start3A_117 = tpu.memref_slice %arg6[%select_n3A_55, %dma_start3A_111, %dma_start3A_116] : memref<2x25x80xi32, #tpu.memory_space<vmem>> -> memref<1x1x80xi32, #tpu.memory_space<vmem>>
    %dma_start3A_118 = tpu.memref_squeeze %dma_start3A_117 : memref<1x1x80xi32, #tpu.memory_space<vmem>> -> memref<80xi32, #tpu.memory_space<vmem>>
    %dma_start3A_119 = arith.constant 0 : i32
    %dma_start3A_120 = arith.constant 0 : i32
    %dma_start3A_121 = tpu.memref_slice %arg2[%dma_start3A_119, %dma_start3A_120] : memref<10000x128xf32, #tpu.memory_space<hbm>> -> memref<10000x128xf32, #tpu.memory_space<hbm>>
    %dma_start3A_122 = tpu.memref_slice %arg10[%dma_start3A_112] : memref<3x!tpu.dma_semaphore, #tpu.memory_space<semaphore_mem>> -> memref<1x!tpu.dma_semaphore, #tpu.memory_space<semaphore_mem>>
    %dma_start3A_123 = tpu.memref_squeeze %dma_start3A_122 : memref<1x!tpu.dma_semaphore, #tpu.memory_space<semaphore_mem>> -> memref<!tpu.dma_semaphore, #tpu.memory_space<semaphore_mem>>
    tpu.enqueue_indirect_dma source(%dma_start3A_121 : memref<10000x128xf32, #tpu.memory_space<hbm>>) target(%dma_start3A_115 : memref<80x128xf32, #tpu.memory_space<vmem>>) offsets(%dma_start3A_118 : memref<80xi32, #tpu.memory_space<vmem>>) semaphore(%dma_start3A_123 : memref<!tpu.dma_semaphore, #tpu.memory_space<semaphore_mem>>)
    %scan3A_124 = arith.constant 0 : i32
    %scan3A_125 = arith.constant 0 : i32
    %scan3A_126 = arith.constant 25 : i32
    %scan3A_127 = arith.addi %scan3A_125, %scan3A_126 : i32
    %scan3A_128 = arith.constant 1 : i32
    %scan3A_129 = scf.for %scan3A_141 = %scan3A_125 to %scan3A_127 step %scan3A_128 iter_args(%scan3A_142 = %scan3A_124) -> (i32)  : i32 {
      %jit3A_143 = arith.constant 3 : i32
      %eq3A_144 = arith.constant 0 : i32
      %eq3A_145 = arith.cmpi eq, %jit3A_143, %eq3A_144 : i32
      %jit3A_146 = arith.constant 1 : i32
      %select_n3A_147 = arith.select %eq3A_145, %jit3A_146, %jit3A_143 : i32
      %rem3A_148 = arith.remsi %scan3A_141, %select_n3A_147 : i32
      %ne3A_149 = arith.constant 0 : i32
      %ne3A_150 = arith.cmpi ne, %rem3A_148, %ne3A_149 : i32
      %lt3A_151 = arith.constant 0 : i32
      %lt3A_152 = arith.cmpi slt, %rem3A_148, %lt3A_151 : i32
      %lt3A_153 = arith.constant 0 : i32
      %lt3A_154 = arith.cmpi slt, %select_n3A_147, %lt3A_153 : i32
      %ne3A_155 = arith.xori %lt3A_152, %lt3A_154 : i1
      %and3A_156 = arith.andi %ne3A_155, %ne3A_150 : i1
      %add3A_157 = arith.addi %rem3A_148, %select_n3A_147 : i32
      %select_n3A_158 = arith.select %and3A_156, %add3A_157, %rem3A_148 : i32
      %add3A_159 = arith.constant 3 : i32
      %add3A_160 = arith.addi %scan3A_141, %add3A_159 : i32
      %sub3A = arith.constant 1 : i32
      %sub3A_161 = arith.subi %add3A_160, %sub3A : i32
      %jit3A_162 = arith.constant 3 : i32
      %eq3A_163 = arith.constant 0 : i32
      %eq3A_164 = arith.cmpi eq, %jit3A_162, %eq3A_163 : i32
      %jit3A_165 = arith.constant 1 : i32
      %select_n3A_166 = arith.select %eq3A_164, %jit3A_165, %jit3A_162 : i32
      %rem3A_167 = arith.remsi %sub3A_161, %select_n3A_166 : i32
      %ne3A_168 = arith.constant 0 : i32
      %ne3A_169 = arith.cmpi ne, %rem3A_167, %ne3A_168 : i32
      %lt3A_170 = arith.constant 0 : i32
      %lt3A_171 = arith.cmpi slt, %rem3A_167, %lt3A_170 : i32
      %lt3A_172 = arith.constant 0 : i32
      %lt3A_173 = arith.cmpi slt, %select_n3A_166, %lt3A_172 : i32
      %ne3A_174 = arith.xori %lt3A_171, %lt3A_173 : i1
      %and3A_175 = arith.andi %ne3A_174, %ne3A_169 : i1
      %add3A_176 = arith.addi %rem3A_167, %select_n3A_166 : i32
      %select_n3A_177 = arith.select %and3A_175, %add3A_176, %rem3A_167 : i32
      %add3A_178 = arith.constant 3 : i32
      %add3A_179 = arith.addi %scan3A_141, %add3A_178 : i32
      %sub3A_180 = arith.constant 1 : i32
      %sub3A_181 = arith.subi %add3A_179, %sub3A_180 : i32
      %lt3A_182 = arith.constant 25 : i32
      %lt3A_183 = arith.cmpi slt, %sub3A_181, %lt3A_182 : i32
      %convert_element_type3A_184 = arith.extui %lt3A_183 : i1 to i32
      %cond3A_185 = arith.constant 0 : i32
      %cond3A_186 = arith.cmpi ne, %convert_element_type3A_184, %cond3A_185 : i32
      scf.if %cond3A_186 {
        %add3A_202 = arith.constant 3 : i32
        %add3A_203 = arith.addi %scan3A_141, %add3A_202 : i32
        %sub3A_204 = arith.constant 1 : i32
        %sub3A_205 = arith.subi %add3A_203, %sub3A_204 : i32
        %mul3A_206 = arith.constant 80 : i32
        %mul3A_207 = arith.muli %select_n3A_177, %mul3A_206 : i32
        %dma_start3A_208 = arith.constant 0 : i32
        %dma_start3A_209 = tpu.memref_slice %arg8[%mul3A_207, %dma_start3A_208] : memref<240x128xf32, #tpu.memory_space<vmem>> -> memref<80x128xf32, #tpu.memory_space<vmem>>
        %dma_start3A_210 = arith.constant 0 : i32
        %dma_start3A_211 = tpu.memref_slice %arg6[%select_n3A_55, %sub3A_205, %dma_start3A_210] : memref<2x25x80xi32, #tpu.memory_space<vmem>> -> memref<1x1x80xi32, #tpu.memory_space<vmem>>
        %dma_start3A_212 = tpu.memref_squeeze %dma_start3A_211 : memref<1x1x80xi32, #tpu.memory_space<vmem>> -> memref<80xi32, #tpu.memory_space<vmem>>
        %dma_start3A_213 = arith.constant 0 : i32
        %dma_start3A_214 = arith.constant 0 : i32
        %dma_start3A_215 = tpu.memref_slice %arg2[%dma_start3A_213, %dma_start3A_214] : memref<10000x128xf32, #tpu.memory_space<hbm>> -> memref<10000x128xf32, #tpu.memory_space<hbm>>
        %dma_start3A_216 = tpu.memref_slice %arg10[%select_n3A_177] : memref<3x!tpu.dma_semaphore, #tpu.memory_space<semaphore_mem>> -> memref<1x!tpu.dma_semaphore, #tpu.memory_space<semaphore_mem>>
        %dma_start3A_217 = tpu.memref_squeeze %dma_start3A_216 : memref<1x!tpu.dma_semaphore, #tpu.memory_space<semaphore_mem>> -> memref<!tpu.dma_semaphore, #tpu.memory_space<semaphore_mem>>
        tpu.enqueue_indirect_dma source(%dma_start3A_215 : memref<10000x128xf32, #tpu.memory_space<hbm>>) target(%dma_start3A_209 : memref<80x128xf32, #tpu.memory_space<vmem>>) offsets(%dma_start3A_212 : memref<80xi32, #tpu.memory_space<vmem>>) semaphore(%dma_start3A_217 : memref<!tpu.dma_semaphore, #tpu.memory_space<semaphore_mem>>)
      } else {
      }
      %mul3A_187 = arith.constant 80 : i32
      %mul3A_188 = arith.muli %select_n3A_158, %mul3A_187 : i32
      %dma_wait3A_189 = arith.constant 0 : i32
      %dma_wait3A_190 = tpu.memref_slice %arg8[%mul3A_188, %dma_wait3A_189] : memref<240x128xf32, #tpu.memory_space<vmem>> -> memref<80x128xf32, #tpu.memory_space<vmem>>
      %dma_wait3A_191 = arith.constant 0 : i32
      %dma_wait3A_192 = tpu.memref_slice %arg6[%select_n3A_55, %scan3A_141, %dma_wait3A_191] : memref<2x25x80xi32, #tpu.memory_space<vmem>> -> memref<1x1x80xi32, #tpu.memory_space<vmem>>
      %dma_wait3A_193 = tpu.memref_squeeze %dma_wait3A_192 : memref<1x1x80xi32, #tpu.memory_space<vmem>> -> memref<80xi32, #tpu.memory_space<vmem>>
      %dma_wait3A_194 = arith.constant 0 : i32
      %dma_wait3A_195 = arith.constant 0 : i32
      %dma_wait3A_196 = tpu.memref_slice %arg2[%dma_wait3A_194, %dma_wait3A_195] : memref<10000x128xf32, #tpu.memory_space<hbm>> -> memref<10000x128xf32, #tpu.memory_space<hbm>>
      %dma_wait3A_197 = tpu.memref_slice %arg10[%select_n3A_158] : memref<3x!tpu.dma_semaphore, #tpu.memory_space<semaphore_mem>> -> memref<1x!tpu.dma_semaphore, #tpu.memory_space<semaphore_mem>>
      %dma_wait3A_198 = tpu.memref_squeeze %dma_wait3A_197 : memref<1x!tpu.dma_semaphore, #tpu.memory_space<semaphore_mem>> -> memref<!tpu.dma_semaphore, #tpu.memory_space<semaphore_mem>>
      tpu.wait_indirect_dma semaphore(%dma_wait3A_198 : memref<!tpu.dma_semaphore, #tpu.memory_space<semaphore_mem>>) src(%dma_wait3A_196 : memref<10000x128xf32, #tpu.memory_space<hbm>>) dst(%dma_wait3A_190 : memref<80x128xf32, #tpu.memory_space<vmem>>)
      %mul3A_199 = arith.constant 80 : i32
      %mul3A_200 = arith.muli %select_n3A_158, %mul3A_199 : i32
      "tpu.region"() ({
        %run_scoped3A = tpu.sem_alloc : memref<!tpu.dma_semaphore, #tpu.memory_space<semaphore_mem>>
        %dma_start3A_202 = arith.constant 0 : i32
        %dma_start3A_203 = tpu.memref_slice %arg8[%mul3A_200, %dma_start3A_202] : memref<240x128xf32, #tpu.memory_space<vmem>> -> memref<80x128xf32, #tpu.memory_space<vmem>>
        %dma_start3A_204 = arith.constant 0 : i32
        %dma_start3A_205 = tpu.memref_slice %arg7[%select_n3A_55, %scan3A_141, %dma_start3A_204] : memref<2x25x80xi32, #tpu.memory_space<vmem>> -> memref<1x1x80xi32, #tpu.memory_space<vmem>>
        %dma_start3A_206 = tpu.memref_squeeze %dma_start3A_205 : memref<1x1x80xi32, #tpu.memory_space<vmem>> -> memref<80xi32, #tpu.memory_space<vmem>>
        %dma_start3A_207 = arith.constant 0 : i32
        %dma_start3A_208 = arith.constant 0 : i32
        %dma_start3A_209 = tpu.memref_slice %arg9[%dma_start3A_207, %dma_start3A_208] : memref<2048x128xf32, #tpu.memory_space<vmem_shared>> -> memref<2048x128xf32, #tpu.memory_space<vmem_shared>>
        tpu.enqueue_indirect_dma source(%dma_start3A_203 : memref<80x128xf32, #tpu.memory_space<vmem>>) target(%dma_start3A_209 : memref<2048x128xf32, #tpu.memory_space<vmem_shared>>) offsets(%dma_start3A_206 : memref<80xi32, #tpu.memory_space<vmem>>) semaphore(%run_scoped3A : memref<!tpu.dma_semaphore, #tpu.memory_space<semaphore_mem>>) {add = true}
        %dma_wait3A_210 = arith.constant 0 : i32
        %dma_wait3A_211 = tpu.memref_slice %arg8[%mul3A_200, %dma_wait3A_210] : memref<240x128xf32, #tpu.memory_space<vmem>> -> memref<80x128xf32, #tpu.memory_space<vmem>>
        %dma_wait3A_212 = arith.constant 0 : i32
        %dma_wait3A_213 = tpu.memref_slice %arg7[%select_n3A_55, %scan3A_141, %dma_wait3A_212] : memref<2x25x80xi32, #tpu.memory_space<vmem>> -> memref<1x1x80xi32, #tpu.memory_space<vmem>>
        %dma_wait3A_214 = tpu.memref_squeeze %dma_wait3A_213 : memref<1x1x80xi32, #tpu.memory_space<vmem>> -> memref<80xi32, #tpu.memory_space<vmem>>
        %dma_wait3A_215 = arith.constant 0 : i32
        %dma_wait3A_216 = arith.constant 0 : i32
        %dma_wait3A_217 = tpu.memref_slice %arg9[%dma_wait3A_215, %dma_wait3A_216] : memref<2048x128xf32, #tpu.memory_space<vmem_shared>> -> memref<2048x128xf32, #tpu.memory_space<vmem_shared>>
        tpu.wait_indirect_dma semaphore(%run_scoped3A : memref<!tpu.dma_semaphore, #tpu.memory_space<semaphore_mem>>) src(%dma_wait3A_211 : memref<80x128xf32, #tpu.memory_space<vmem>>) dst(%dma_wait3A_217 : memref<2048x128xf32, #tpu.memory_space<vmem_shared>>)
        tpu.yield
      }) : () -> ()
      %scan3A_201 = arith.constant 0 : i32
      scf.yield %scan3A_201 : i32
    }
    %scan3A_130 = arith.constant 25 : i32
    %scan3A_131 = arith.constant 0 : i32
    %scan3A_132 = arith.constant 1 : i32
    %barrier3A_133 = arith.constant 0 : index
    tpu.barrier barrier_id(%barrier3A_133)
    %mul3A_134 = arith.constant 128 : i32
    %mul3A_135 = arith.muli %arg1, %mul3A_134 : i32
    %add3A_136 = arith.constant 0 : i32
    %add3A_137 = arith.addi %mul3A_135, %add3A_136 : i32
    %mul3A_138 = arith.constant 2048 : i32
    %mul3A_139 = arith.muli %arg0, %mul3A_138 : i32
    %add3A_140 = arith.addi %mul3A_139, %add3A_137 : i32
    "tpu.region"() ({
      %run_scoped3A = tpu.sem_alloc : memref<!tpu.dma_semaphore, #tpu.memory_space<semaphore_mem>>
      %dma_start3A_141 = arith.constant 0 : i32
      %dma_start3A_142 = tpu.memref_slice %arg5[%add3A_140, %dma_start3A_141] : memref<4096x128xf32, #tpu.memory_space<hbm>> -> memref<128x128xf32, #tpu.memory_space<hbm>>
      %dma_start3A_143 = arith.constant 0 : i32
      %dma_start3A_144 = tpu.memref_slice %arg9[%add3A_137, %dma_start3A_143] : memref<2048x128xf32, #tpu.memory_space<vmem_shared>> -> memref<128x128xf32, #tpu.memory_space<vmem_shared>>
      tpu.enqueue_dma source(%dma_start3A_144 : memref<128x128xf32, #tpu.memory_space<vmem_shared>>) target(%dma_start3A_142 : memref<128x128xf32, #tpu.memory_space<hbm>>) target_semaphore(%run_scoped3A : memref<!tpu.dma_semaphore, #tpu.memory_space<semaphore_mem>>)
      %dma_wait3A_145 = arith.constant 0 : i32
      %dma_wait3A_146 = tpu.memref_slice %arg5[%add3A_140, %dma_wait3A_145] : memref<4096x128xf32, #tpu.memory_space<hbm>> -> memref<128x128xf32, #tpu.memory_space<hbm>>
      %dma_wait3A_147 = arith.constant 0 : i32
      %dma_wait3A_148 = tpu.memref_slice %arg9[%add3A_137, %dma_wait3A_147] : memref<2048x128xf32, #tpu.memory_space<vmem_shared>> -> memref<128x128xf32, #tpu.memory_space<vmem_shared>>
      tpu.wait_dma2 semaphore(%run_scoped3A : memref<!tpu.dma_semaphore, #tpu.memory_space<semaphore_mem>>) src(%dma_wait3A_148 : memref<128x128xf32, #tpu.memory_space<vmem_shared>>) dst(%dma_wait3A_146 : memref<128x128xf32, #tpu.memory_space<hbm>>)
      tpu.yield
    }) : () -> ()
    return
  }
}

module attributes {stable_mosaic.version = 14 : i64} {
  func.func @_root1_body(%arg0: i32, %arg1: memref<1000x128xf32, #tpu.memory_space<vmem>>, %arg2: memref<128x128xf32, #tpu.memory_space<vmem>>, %arg3: memref<1x128xf32, #tpu.memory_space<vmem>>, %arg4: memref<1000x128xf32, #tpu.memory_space<vmem>>) attributes {dimension_semantics = [#tpu.dimension_semantics<arbitrary>], iteration_bounds = array<i64: 10>, scalar_prefetch = 0 : i64, scratch_operands = 0 : i64, tpu.core_type = #tpu.core_type<tc>, window_params = [{transform_indices = @transform_0, window_bounds = array<i64: 1000, 128>}, {pipeline_mode = #tpu.pipeline_mode<synchronous>, transform_indices = @transform_1, window_bounds = array<i64: 128, 128>}, {pipeline_mode = #tpu.pipeline_mode<synchronous>, transform_indices = @transform_2, window_bounds = array<i64: 1, 128>}, {transform_indices = @transform_3, window_bounds = array<i64: 1000, 128>}]} {
    %get3A = arith.constant 0 : index
    %get3A_0 = arith.constant 0 : index
    %get3A_1 = vector.load %arg1[%get3A, %get3A_0] : memref<1000x128xf32, #tpu.memory_space<vmem>>, vector<1000x128xf32>
    %get3A_2 = arith.constant 0 : index
    %get3A_3 = arith.constant 0 : index
    %get3A_4 = vector.load %arg2[%get3A_2, %get3A_3] : memref<128x128xf32, #tpu.memory_space<vmem>>, vector<128x128xf32>
    %dot_general3A = arith.constant dense<0.000000e+00> : vector<1000x128xf32>
    %dot_general3A_5 = tpu.matmul %get3A_1, %get3A_4, %dot_general3A {dimension_numbers = #tpu.dot_dimension_numbers<[1], [0], [0], [1], [0, 0, 1, 1], [], []>, transpose_lhs_hint = false} : vector<1000x128xf32>, vector<128x128xf32>, vector<1000x128xf32> -> vector<1000x128xf32>
    %get3A_6 = arith.constant 0 : index
    %get3A_7 = arith.constant 0 : index
    %get3A_8 = vector.load %arg3[%get3A_6, %get3A_7] : memref<1x128xf32, #tpu.memory_space<vmem>>, vector<1x128xf32>
    %add3A = vector.broadcast %get3A_8 : vector<1x128xf32> to vector<1000x128xf32>
    %add3A_9 = arith.addf %dot_general3A_5, %add3A : vector<1000x128xf32>
    %swap3A = arith.constant 0 : index
    %swap3A_10 = arith.constant 0 : index
    %swap3A_11 = vector.load %arg4[%swap3A, %swap3A_10] : memref<1000x128xf32, #tpu.memory_space<vmem>>, vector<1000x128xf32>
    tpu.vector_store %arg4[%swap3A, %swap3A_10], %add3A_9 {strides = array<i32>} : memref<1000x128xf32, #tpu.memory_space<vmem>>, vector<1000x128xf32>,
    return
  }
  func.func @transform_0(%arg0: i32) -> (i32, i32) {
    %c0_i32 = arith.constant 0 : i32
    %c0_i32_0 = arith.constant 0 : i32
    return %arg0, %c0_i32 : i32, i32
  }
  func.func @transform_1(%arg0: i32) -> (i32, i32) {
    %c0_i32 = arith.constant 0 : i32
    %c0_i32_0 = arith.constant 0 : i32
    %c0_i32_1 = arith.constant 0 : i32
    return %c0_i32, %c0_i32_0 : i32, i32
  }
  func.func @transform_2(%arg0: i32) -> (i32, i32) {
    %c0_i32 = arith.constant 0 : i32
    %c0_i32_0 = arith.constant 0 : i32
    %c0_i32_1 = arith.constant 0 : i32
    return %c0_i32, %c0_i32_0 : i32, i32
  }
  func.func @transform_3(%arg0: i32) -> (i32, i32) {
    %c0_i32 = arith.constant 0 : i32
    %c0_i32_0 = arith.constant 0 : i32
    return %arg0, %c0_i32 : i32, i32
  }
}

module attributes {stable_mosaic.version = 14 : i64} {
  func.func @_lin1_body(%arg0: i32, %arg1: memref<2x1000x128xf32, #tpu.memory_space<vmem>>, %arg2: memref<1000x128xf32, #tpu.memory_space<vmem>>, %arg3: memref<128x128xf32, #tpu.memory_space<vmem>>, %arg4: memref<1000x128xf32, #tpu.memory_space<vmem>>) attributes {dimension_semantics = [#tpu.dimension_semantics<arbitrary>], iteration_bounds = array<i64: 10>, scalar_prefetch = 0 : i64, scratch_operands = 0 : i64, tpu.core_type = #tpu.core_type<tc>, window_params = [{transform_indices = @transform_0, window_bounds = array<i64: 2, 1000, 128>}, {transform_indices = @transform_1, window_bounds = array<i64: 1000, 128>}, {pipeline_mode = #tpu.pipeline_mode<synchronous>, transform_indices = @transform_2, window_bounds = array<i64: 128, 128>}, {transform_indices = @transform_3, window_bounds = array<i64: 1000, 128>}]} {
    %get3A = arith.constant 0 : index
    %get3A_0 = arith.constant 0 : index
    %get3A_1 = arith.constant 0 : index
    %get3A_2 = vector.load %arg1[%get3A, %get3A_0, %get3A_1] : memref<2x1000x128xf32, #tpu.memory_space<vmem>>, vector<1x1000x128xf32>
    %get3A_3 = vector.shape_cast %get3A_2 : vector<1x1000x128xf32> to vector<1000x128xf32>
    %get3A_4 = arith.constant 1 : index
    %get3A_5 = arith.constant 0 : index
    %get3A_6 = arith.constant 0 : index
    %get3A_7 = vector.load %arg1[%get3A_4, %get3A_5, %get3A_6] : memref<2x1000x128xf32, #tpu.memory_space<vmem>>, vector<1x1000x128xf32>
    %get3A_8 = vector.shape_cast %get3A_7 : vector<1x1000x128xf32> to vector<1000x128xf32>
    %add3A = arith.addf %get3A_3, %get3A_8 : vector<1000x128xf32>
    %get3A_9 = arith.constant 0 : index
    %get3A_10 = arith.constant 0 : index
    %get3A_11 = vector.load %arg3[%get3A_9, %get3A_10] : memref<128x128xf32, #tpu.memory_space<vmem>>, vector<128x128xf32>
    %dot_general3A = arith.constant dense<0.000000e+00> : vector<1000x128xf32>
    %dot_general3A_12 = tpu.matmul %add3A, %get3A_11, %dot_general3A {dimension_numbers = #tpu.dot_dimension_numbers<[1], [0], [0], [1], [0, 0, 1, 1], [], []>, transpose_lhs_hint = false} : vector<1000x128xf32>, vector<128x128xf32>, vector<1000x128xf32> -> vector<1000x128xf32>
    %get3A_13 = arith.constant 0 : index
    %get3A_14 = arith.constant 0 : index
    %get3A_15 = vector.load %arg2[%get3A_13, %get3A_14] : memref<1000x128xf32, #tpu.memory_space<vmem>>, vector<1000x128xf32>
    %add3A_16 = arith.addf %dot_general3A_12, %get3A_15 : vector<1000x128xf32>
    %max3A = arith.constant 0.000000e+00 : f32
    %max3A_17 = vector.broadcast %max3A : f32 to vector<1000x128xf32>
    %max3A_18 = arith.maximumf %add3A_16, %max3A_17 : vector<1000x128xf32>
    %swap3A = arith.constant 0 : index
    %swap3A_19 = arith.constant 0 : index
    %swap3A_20 = vector.load %arg4[%swap3A, %swap3A_19] : memref<1000x128xf32, #tpu.memory_space<vmem>>, vector<1000x128xf32>
    tpu.vector_store %arg4[%swap3A, %swap3A_19], %max3A_18 {strides = array<i32>} : memref<1000x128xf32, #tpu.memory_space<vmem>>, vector<1000x128xf32>,
    return
  }
  func.func @transform_0(%arg0: i32) -> (i32, i32, i32) {
    %c0_i32 = arith.constant 0 : i32
    %c0_i32_0 = arith.constant 0 : i32
    %c0_i32_1 = arith.constant 0 : i32
    return %c0_i32, %arg0, %c0_i32_0 : i32, i32, i32
  }
  func.func @transform_1(%arg0: i32) -> (i32, i32) {
    %c0_i32 = arith.constant 0 : i32
    %c0_i32_0 = arith.constant 0 : i32
    return %arg0, %c0_i32 : i32, i32
  }
  func.func @transform_2(%arg0: i32) -> (i32, i32) {
    %c0_i32 = arith.constant 0 : i32
    %c0_i32_0 = arith.constant 0 : i32
    %c0_i32_1 = arith.constant 0 : i32
    return %c0_i32, %c0_i32_0 : i32, i32
  }
  func.func @transform_3(%arg0: i32) -> (i32, i32) {
    %c0_i32 = arith.constant 0 : i32
    %c0_i32_0 = arith.constant 0 : i32
    return %arg0, %c0_i32 : i32, i32
  }
}

module attributes {stable_mosaic.version = 14 : i64} {
  func.func @_head_body(%arg0: i32, %arg1: memref<2x2000x128xf32, #tpu.memory_space<vmem>>, %arg2: memref<2000x128xf32, #tpu.memory_space<vmem>>, %arg3: memref<128x128xf32, #tpu.memory_space<vmem>>, %arg4: memref<1x128xf32, #tpu.memory_space<vmem>>, %arg5: memref<128x128xf32, #tpu.memory_space<vmem>>, %arg6: memref<128x128xf32, #tpu.memory_space<vmem>>, %arg7: memref<1x128xf32, #tpu.memory_space<vmem>>, %arg8: memref<128x128xf32, #tpu.memory_space<vmem>>, %arg9: memref<1x128xf32, #tpu.memory_space<vmem>>, %arg10: memref<2000x128xf32, #tpu.memory_space<vmem>>) attributes {dimension_semantics = [#tpu.dimension_semantics<arbitrary>], iteration_bounds = array<i64: 1>, scalar_prefetch = 0 : i64, scratch_operands = 0 : i64, tpu.core_type = #tpu.core_type<tc>, window_params = [{transform_indices = @transform_0, window_bounds = array<i64: 2, 2000, 128>}, {transform_indices = @transform_1, window_bounds = array<i64: 2000, 128>}, {pipeline_mode = #tpu.pipeline_mode<synchronous>, transform_indices = @transform_2, window_bounds = array<i64: 128, 128>}, {pipeline_mode = #tpu.pipeline_mode<synchronous>, transform_indices = @transform_3, window_bounds = array<i64: 1, 128>}, {pipeline_mode = #tpu.pipeline_mode<synchronous>, transform_indices = @transform_4, window_bounds = array<i64: 128, 128>}, {pipeline_mode = #tpu.pipeline_mode<synchronous>, transform_indices = @transform_5, window_bounds = array<i64: 128, 128>}, {pipeline_mode = #tpu.pipeline_mode<synchronous>, transform_indices = @transform_6, window_bounds = array<i64: 1, 128>}, {pipeline_mode = #tpu.pipeline_mode<synchronous>, transform_indices = @transform_7, window_bounds = array<i64: 128, 128>}, {pipeline_mode = #tpu.pipeline_mode<synchronous>, transform_indices = @transform_8, window_bounds = array<i64: 1, 128>}, {pipeline_mode = #tpu.pipeline_mode<synchronous>, transform_indices = @transform_9, window_bounds = array<i64: 2000, 128>}]} {
    %get3A = arith.constant 0 : index
    %get3A_0 = arith.constant 0 : index
    %get3A_1 = arith.constant 0 : index
    %get3A_2 = vector.load %arg1[%get3A, %get3A_0, %get3A_1] : memref<2x2000x128xf32, #tpu.memory_space<vmem>>, vector<1x2000x128xf32>
    %get3A_3 = vector.shape_cast %get3A_2 : vector<1x2000x128xf32> to vector<2000x128xf32>
    %get3A_4 = arith.constant 1 : index
    %get3A_5 = arith.constant 0 : index
    %get3A_6 = arith.constant 0 : index
    %get3A_7 = vector.load %arg1[%get3A_4, %get3A_5, %get3A_6] : memref<2x2000x128xf32, #tpu.memory_space<vmem>>, vector<1x2000x128xf32>
    %get3A_8 = vector.shape_cast %get3A_7 : vector<1x2000x128xf32> to vector<2000x128xf32>
    %add3A = arith.addf %get3A_3, %get3A_8 : vector<2000x128xf32>
    %get3A_9 = arith.constant 0 : index
    %get3A_10 = arith.constant 0 : index
    %get3A_11 = vector.load %arg3[%get3A_9, %get3A_10] : memref<128x128xf32, #tpu.memory_space<vmem>>, vector<128x128xf32>
    %dot_general3A = arith.constant dense<0.000000e+00> : vector<2000x128xf32>
    %dot_general3A_12 = tpu.matmul %add3A, %get3A_11, %dot_general3A {dimension_numbers = #tpu.dot_dimension_numbers<[1], [0], [0], [1], [0, 0, 1, 1], [], []>, transpose_lhs_hint = false} : vector<2000x128xf32>, vector<128x128xf32>, vector<2000x128xf32> -> vector<2000x128xf32>
    %get3A_13 = arith.constant 0 : index
    %get3A_14 = arith.constant 0 : index
    %get3A_15 = vector.load %arg2[%get3A_13, %get3A_14] : memref<2000x128xf32, #tpu.memory_space<vmem>>, vector<2000x128xf32>
    %get3A_16 = arith.constant 0 : index
    %get3A_17 = arith.constant 0 : index
    %get3A_18 = vector.load %arg5[%get3A_16, %get3A_17] : memref<128x128xf32, #tpu.memory_space<vmem>>, vector<128x128xf32>
    %dot_general3A_19 = arith.constant dense<0.000000e+00> : vector<2000x128xf32>
    %dot_general3A_20 = tpu.matmul %get3A_15, %get3A_18, %dot_general3A_19 {dimension_numbers = #tpu.dot_dimension_numbers<[1], [0], [0], [1], [0, 0, 1, 1], [], []>, transpose_lhs_hint = false} : vector<2000x128xf32>, vector<128x128xf32>, vector<2000x128xf32> -> vector<2000x128xf32>
    %add3A_21 = arith.addf %dot_general3A_12, %dot_general3A_20 : vector<2000x128xf32>
    %get3A_22 = arith.constant 0 : index
    %get3A_23 = arith.constant 0 : index
    %get3A_24 = vector.load %arg4[%get3A_22, %get3A_23] : memref<1x128xf32, #tpu.memory_space<vmem>>, vector<1x128xf32>
    %add3A_25 = vector.broadcast %get3A_24 : vector<1x128xf32> to vector<2000x128xf32>
    %add3A_26 = arith.addf %add3A_21, %add3A_25 : vector<2000x128xf32>
    %get3A_27 = arith.constant 0 : index
    %get3A_28 = arith.constant 0 : index
    %get3A_29 = vector.load %arg6[%get3A_27, %get3A_28] : memref<128x128xf32, #tpu.memory_space<vmem>>, vector<128x128xf32>
    %dot_general3A_30 = arith.constant dense<0.000000e+00> : vector<2000x128xf32>
    %dot_general3A_31 = tpu.matmul %add3A_26, %get3A_29, %dot_general3A_30 {dimension_numbers = #tpu.dot_dimension_numbers<[1], [0], [0], [1], [0, 0, 1, 1], [], []>, transpose_lhs_hint = false} : vector<2000x128xf32>, vector<128x128xf32>, vector<2000x128xf32> -> vector<2000x128xf32>
    %get3A_32 = arith.constant 0 : index
    %get3A_33 = arith.constant 0 : index
    %get3A_34 = vector.load %arg7[%get3A_32, %get3A_33] : memref<1x128xf32, #tpu.memory_space<vmem>>, vector<1x128xf32>
    %add3A_35 = vector.broadcast %get3A_34 : vector<1x128xf32> to vector<2000x128xf32>
    %add3A_36 = arith.addf %dot_general3A_31, %add3A_35 : vector<2000x128xf32>
    %get3A_37 = arith.constant 0 : index
    %get3A_38 = arith.constant 0 : index
    %get3A_39 = vector.load %arg8[%get3A_37, %get3A_38] : memref<128x128xf32, #tpu.memory_space<vmem>>, vector<128x128xf32>
    %dot_general3A_40 = arith.constant dense<0.000000e+00> : vector<2000x128xf32>
    %dot_general3A_41 = tpu.matmul %add3A_36, %get3A_39, %dot_general3A_40 {dimension_numbers = #tpu.dot_dimension_numbers<[1], [0], [0], [1], [0, 0, 1, 1], [], []>, transpose_lhs_hint = false} : vector<2000x128xf32>, vector<128x128xf32>, vector<2000x128xf32> -> vector<2000x128xf32>
    %get3A_42 = arith.constant 0 : index
    %get3A_43 = arith.constant 0 : index
    %get3A_44 = vector.load %arg9[%get3A_42, %get3A_43] : memref<1x128xf32, #tpu.memory_space<vmem>>, vector<1x128xf32>
    %add3A_45 = vector.broadcast %get3A_44 : vector<1x128xf32> to vector<2000x128xf32>
    %add3A_46 = arith.addf %dot_general3A_41, %add3A_45 : vector<2000x128xf32>
    %swap3A = arith.constant 0 : index
    %swap3A_47 = arith.constant 0 : index
    %swap3A_48 = vector.load %arg10[%swap3A, %swap3A_47] : memref<2000x128xf32, #tpu.memory_space<vmem>>, vector<2000x128xf32>
    tpu.vector_store %arg10[%swap3A, %swap3A_47], %add3A_46 {strides = array<i32>} : memref<2000x128xf32, #tpu.memory_space<vmem>>, vector<2000x128xf32>,
    return
  }
  func.func @transform_0(%arg0: i32) -> (i32, i32, i32) {
    %c0_i32 = arith.constant 0 : i32
    %c0_i32_0 = arith.constant 0 : i32
    %c0_i32_1 = arith.constant 0 : i32
    %c0_i32_2 = arith.constant 0 : i32
    return %c0_i32, %c0_i32_0, %c0_i32_1 : i32, i32, i32
  }
  func.func @transform_1(%arg0: i32) -> (i32, i32) {
    %c0_i32 = arith.constant 0 : i32
    %c0_i32_0 = arith.constant 0 : i32
    %c0_i32_1 = arith.constant 0 : i32
    return %c0_i32, %c0_i32_0 : i32, i32
  }
  func.func @transform_2(%arg0: i32) -> (i32, i32) {
    %c0_i32 = arith.constant 0 : i32
    %c0_i32_0 = arith.constant 0 : i32
    %c0_i32_1 = arith.constant 0 : i32
    return %c0_i32, %c0_i32_0 : i32, i32
  }
  func.func @transform_3(%arg0: i32) -> (i32, i32) {
    %c0_i32 = arith.constant 0 : i32
    %c0_i32_0 = arith.constant 0 : i32
    %c0_i32_1 = arith.constant 0 : i32
    return %c0_i32, %c0_i32_0 : i32, i32
  }
  func.func @transform_4(%arg0: i32) -> (i32, i32) {
    %c0_i32 = arith.constant 0 : i32
    %c0_i32_0 = arith.constant 0 : i32
    %c0_i32_1 = arith.constant 0 : i32
    return %c0_i32, %c0_i32_0 : i32, i32
  }
  func.func @transform_5(%arg0: i32) -> (i32, i32) {
    %c0_i32 = arith.constant 0 : i32
    %c0_i32_0 = arith.constant 0 : i32
    %c0_i32_1 = arith.constant 0 : i32
    return %c0_i32, %c0_i32_0 : i32, i32
  }
  func.func @transform_6(%arg0: i32) -> (i32, i32) {
    %c0_i32 = arith.constant 0 : i32
    %c0_i32_0 = arith.constant 0 : i32
    %c0_i32_1 = arith.constant 0 : i32
    return %c0_i32, %c0_i32_0 : i32, i32
  }
  func.func @transform_7(%arg0: i32) -> (i32, i32) {
    %c0_i32 = arith.constant 0 : i32
    %c0_i32_0 = arith.constant 0 : i32
    %c0_i32_1 = arith.constant 0 : i32
    return %c0_i32, %c0_i32_0 : i32, i32
  }
  func.func @transform_8(%arg0: i32) -> (i32, i32) {
    %c0_i32 = arith.constant 0 : i32
    %c0_i32_0 = arith.constant 0 : i32
    %c0_i32_1 = arith.constant 0 : i32
    return %c0_i32, %c0_i32_0 : i32, i32
  }
  func.func @transform_9(%arg0: i32) -> (i32, i32) {
    %c0_i32 = arith.constant 0 : i32
    %c0_i32_0 = arith.constant 0 : i32
    %c0_i32_1 = arith.constant 0 : i32
    return %c0_i32, %c0_i32_0 : i32, i32
  }
}

</mosaic_0001>

<sc_bundles>
// kernel: kernel.10.cloned.1.call-start
scs
__scs_entry_jumppad:
0x0: {  	(pc) =	sbr.rel $0x88, $3  }
0x1: {  	(tag) =	ssettag $0x0;
	lr =	simm.s32 $0x1  }
0x2: {  	[smem:$0x3F94] =	sst lr;
	_ =	strace $0xD0000000  }
0x3: {  	_ = 	snop  }
0x4: {  	_ = 	snop  }
0x5: {  	_ = 	snop  }
0x6: {  	_ = 	snop  }
0x7: {  	_ = 	snop  }
__scs_overlays_trampoline_lowered:
0x8: {  	[smem:$0x3FA3] =	sst s0  }
0x9: {  	[smem:$0x3FA4] =	sst s1  }
0xa: {  	[smem:$0x3FA5] =	sst s2  }
0xb: {  	[smem:$0x3FA6] =	sst s3  }
0xc: {  	[smem:$0x3FA7] =	sst s4  }
0xd: {  	[smem:$0x3FA8] =	sst s5  }
0xe: {  	[smem:$0x3FA9] =	sst s6  }
0xf: {  	[smem:$0x3FAA] =	sst s7  }
0x10: {  	[smem:$0x3FAB] =	sst s8  }
0x11: {  	[smem:$0x3FAC] =	sst s9;
	s0 =	simm.s32 @!p0 $0x0  }
0x12: {  	s1 =	sld [smem:$0x3F92];
	s0 =	simm.s32 @p0 $0x1  }
0x13: {  	[smem:$0x3FAD] =	sst s0;
	s0 =	simm.s32 @!p1 $0x0  }
0x14: {  	s2 =	sld [smem:$0x3F91];
	s0 =	simm.s32 @p1 $0x1  }
0x15: {  	[smem:$0x3FAE] =	sst s0;
	s0 =	simm.s32 @!p2 $0x0  }
0x16: {  	s3 =	sld [smem:$0x3FDB];
	s0 =	simm.s32 @p2 $0x1  }
0x17: {  	s4 =	simm.s32 $0x1BF5;
	[smem:$0x3FB0] =	sst s0  }
0x18: {  	s0 =	sld [smem:$0x3F93];
	_ =	swait.ge [sflag:s4], $0x0  }
0x19: {  	s7 =	sld [smem:$0x3F94]  }
0x1a: {  	s8 =	sadd.s32 $0xFFFFE003, lr  }
0x1b: {  	s9 =	sadd.s32 $0xFFFFFEF7, lr;
	s5 =	simm.s32 $0xFFFFFFFF;
	p2 =	slt.u32 s8, $0xFFFFF086  }
0x1c: {  	p1 =	slt.u32 s9, $0xF7A;
	s5 =	simm.s32 @!p2 $0x0  }
0x1d: {  	s5 =	simm.s32 @p1 $0x1;
	p0 =	seq.s32 s7, s2  }
0x1e: {  	s7 =	smul.u32 @!p0 $0xF7A, s2;
	p2 =	seq.s32 @!p0 s5, $0x0  }
0x1f: {  	s9 =	smul.u32 $0xF7A, s1;
	s8 =	simm.s32 @!p0 $0x1BF5;
	p2 =	por !p2, p0  }
0x20: {  	[sflag:s8] =	ssyncset.s32 @!p0 $0xFFFFF086;
	s6 =	sadd.s32 @!p0 s3, s7;
	s7 =	simm.s32 @!p0 $0x108  }
0x21: {  	s3 =	sadd.s32 s3, s9;
	s6 =	sadd.s32 @!p0 $0x88, s6;
	s7 =	simm.s32 @p2 $0x1082  }
0x22: {  	[simem:s7], [sflag:s8] =	dma.local @!p0 [hbm:s6], $0xF7A  }
0x23: {  	s9 =	sor.u32 $0xD0000000, s2;
	s6 =	simm.s32 $0x108;
	_ =	swait.ge @!p0 [sflag:s8], $0x0  }
0x24: {  	s3 =	sadd.s32 $0x88, s3;
	s6 =	simm.s32 @!p1 $0x1082;
	[sflag:s4] =	ssyncset.s32 $0xFFFFF086  }
0x25: {  	[simem:s6], [sflag:s4] =	dma.local [hbm:s3], $0xF7A  }
0x26: {  	[smem:$0x3F94] =	sst s1;
	(tag) =	ssettag s2;
	_ =	strace s9  }
0x27: {  	s1 =	sld [smem:$0x3FA4]  }
0x28: {  	s2 =	sld [smem:$0x3FA5]  }
0x29: {  	s4 =	sld [smem:$0x3FA7]  }
0x2a: {  	p0 =	seq.s32 s5, $0x0;
	s5 =	sld [smem:$0x3FA8]  }
0x2b: {  	s6 =	sld [smem:$0x3FA9]  }
0x2c: {  	s7 =	sld [smem:$0x3FAA]  }
0x2d: {  	s3 =	simm.s32 $0x108;
	s8 =	sld [smem:$0x3FAB]  }
0x2e: {  	s3 =	simm.s32 @!p0 $0x1082;
	s9 =	sld [smem:$0x3FAC]  }
0x2f: {  	lr =	sadd.s32 s0, s3;
	s0 =	sld [smem:$0x3FA3]  }
0x30: {  	s3 =	sld [smem:$0x3FA6]  }
0x31: {  	[smem:$0x3FAF] =	sst s10  }
0x32: {  	s10 =	sld [smem:$0x3FAD];
	_ =	sdelay $0x3  }
0x33: {  	p0 =	seq.s32 s10, $0x1;
	s10 =	sld [smem:$0x3FAF];
	_ =	sdelay $0x3  }
0x34: {  	[smem:$0x3FAF] =	sst s10  }
0x35: {  	s10 =	sld [smem:$0x3FAE];
	_ =	sdelay $0x3  }
0x36: {  	p1 =	seq.s32 s10, $0x1;
	s10 =	sld [smem:$0x3FAF];
	_ =	sdelay $0x3  }
0x37: {  	[smem:$0x3FAF] =	sst s10  }
0x38: {  	s10 =	sld [smem:$0x3FB0]  }
0x39: {  	_ = 	snop;
	(pc) =	sbr.ind lr, $3  }
0x3a: {  	_ = 	snop  }
0x3b: {  	_ = 	snop  }
0x3c: {  	p2 =	seq.s32 s10, $0x1;
	s10 =	sld [smem:$0x3FAF]  }
0x3d: {  	_ =	shalt  }
0x3e: {  	_ =	shalt  }
0x3f: {  	_ =	shalt  }
0x40: {  	_ =	shalt  }
0x41: {  	_ =	shalt  }
0x42: {  	_ =	shalt  }
0x43: {  	_ =	shalt  }
0x44: {  	_ =	shalt  }
0x45: {  	_ =	shalt  }
0x46: {  	_ =	shalt  }
0x47: {  	_ =	shalt  }
0x48: {  	_ =	shalt  }
0x49: {  	_ =	shalt  }
0x4a: {  	_ =	shalt  }
0x4b: {  	_ =	shalt  }
0x4c: {  	_ =	shalt  }
0x4d: {  	_ =	shalt  }
0x4e: {  	_ =	shalt  }
0x4f: {  	_ =	shalt  }
0x50: {  	_ =	shalt  }
0x51: {  	_ =	shalt  }
0x52: {  	_ =	shalt  }
0x53: {  	_ =	shalt  }
0x54: {  	_ =	shalt  }
0x55: {  	_ =	shalt  }
0x56: {  	_ =	shalt  }
0x57: {  	_ =	shalt  }
0x58: {  	_ =	shalt  }
0x59: {  	_ =	shalt  }
0x5a: {  	_ =	shalt  }
0x5b: {  	_ =	shalt  }
0x5c: {  	_ =	shalt  }
0x5d: {  	_ =	shalt  }
0x5e: {  	_ =	shalt  }
0x5f: {  	_ =	shalt  }
0x60: {  	_ =	shalt  }
0x61: {  	_ =	shalt  }
0x62: {  	_ =	shalt  }
0x63: {  	_ =	shalt  }
0x64: {  	_ =	shalt  }
0x65: {  	_ =	shalt  }
0x66: {  	_ =	shalt  }
0x67: {  	_ =	shalt  }
0x68: {  	_ =	shalt  }
0x69: {  	_ =	shalt  }
0x6a: {  	_ =	shalt  }
0x6b: {  	_ =	shalt  }
0x6c: {  	_ =	shalt  }
0x6d: {  	_ =	shalt  }
0x6e: {  	_ =	shalt  }
0x6f: {  	_ =	shalt  }
0x70: {  	_ =	shalt  }
0x71: {  	_ =	shalt  }
0x72: {  	_ =	shalt  }
0x73: {  	_ =	shalt  }
0x74: {  	_ =	shalt  }
0x75: {  	_ =	shalt  }
0x76: {  	_ =	shalt  }
0x77: {  	_ =	shalt  }
0x78: {  	_ =	shalt  }
0x79: {  	_ =	shalt  }
0x7a: {  	_ =	shalt  }
0x7b: {  	_ =	shalt  }
0x7c: {  	_ =	shalt  }
0x7d: {  	_ =	shalt  }
0x7e: {  	_ =	shalt  }
0x7f: {  	_ =	shalt  }
0x80: {  	_ =	shalt  }
0x81: {  	_ =	shalt  }
0x82: {  	_ =	shalt  }
0x83: {  	_ =	shalt  }
0x84: {  	_ =	shalt  }
0x85: {  	_ =	shalt  }
0x86: {  	_ =	shalt  }
0x87: {  	_ =	shalt  }
.Lfunc_end0:
.L_simem_size_0:
called_computation.1_lowered:
.L_overlay_start_0:
0x88: {  	s2 =	sld [smem:$0x3FD9]  }
0x89: {  	s3 =	sld [smem:$0x3FFE];
	_ =	sdelay $0x1  }
0x8a: {  	s1 =	srdreg.scid  }
0x8b: {  	s0 =	sand.u32 $0x1, s1  }
0x8c: {  	s17 =	sshll.u32 s0, $0xA;
	s2 =	sadd.s32 s3, s2  }
0x8d: {  	s2 =	sadd.s32 s2, s17  }
0x8e: {  	[smem:$0x3FBB] =	sst s2  }
0x8f: {  	_ = 	snop  }
0x90: {  	s2 =	sld [smem:$0x3FD0];
	(tm) =	ssettm $0x1  }
0x91: {  	s18 =	sld [smem:$0x3FFB];
	_ =	sdelay $0x3  }
0x92: {  	_ =	strace s18  }
0x93: {  	s3 =	sld [smem:$0x3FFC];
	_ =	sdelay $0x3  }
0x94: {  	_ =	strace s3  }
0x95: {  	s3 =	sld [smem:$0x3FFD];
	_ =	sdelay $0x3  }
0x96: {  	_ =	strace s3  }
0x97: {  	_ =	strace $0x8FFFFFFF  }
0x98: {  	s19 =	sld [smem:$0x3FDB];
	_ =	sdelay $0x1  }
0x99: {  	s4 =	simm.s32 $_scs_section_size  }
0x9a: {  	s5 =	simm.s32 $_size__tile_overlayer_lowered;
	s6 =	simm.s32 $_tile_overlayer_lowered  }
0x9b: {  	s22 =	simm.s32 $0x1BFF;
	s21 =	sshll.u32 s6, $0x1;
	s3 =	sadd.s32 s4, s19  }
0x9c: {  	s7 =	simm.s32 $0x0;
	s20 =	sshll.u32 s5, $0x1;
	s5 =	sadd.s32 s21, s3  }
0x9d: {  	[timem:s7], [sflag:s22] =	dma.local [hbm:s5], s20  }
0x9e: {  	_ =	swait.ge [sflag:s22], s20  }
0x9f: {  	s4 =	ssub.s32 $0x0, s20;
	[sflag:s22] =	ssyncset.done $0x0  }
0xa0: {  	[sflag:s22] =	ssyncadd.s32 s4;
	_ =	sdelay $0x1  }
0xa1: {  	s23 =	simm.s32 $0x1B8B  }
0xa2: {  	_ =	swait.ge [sflag:s23], $0x1  }
0xa3: {  	[sflag:s23] =	ssyncset.done $0x0  }
0xa4: {  	s25 =	simm.s32 $0x1B8E;
	s24 =	sld [smem:$0x3FFE];
	[sflag:s23] =	ssyncadd.s32 $0xFFFFFFFF  }
0xa5: {  	s26 =	simm.s32 $execute0_lowered;
	[smem:$0x3FD2] =	sst s25  }
0xa6: {  	s5 =	sshll.u32 s26, $0x1;
	_ =	strace $0x80000049;
	[dreg:$0x1] =	wrdreg $0xFFFFFFFF  }
0xa7: {  	s28 =	simm.s32 $_size_execute0_lowered;
	s3 =	sadd.s32 s3, s5;
	[dreg:$0x0] =	wrdreg $0x0  }
0xa8: {  	s5 =	sshll.u32 s28, $0x1;
	[dreg:$0x2] =	wrdreg s3  }
0xa9: {  	[dreg:$0x3] =	wrdreg s5  }
0xaa: {  	[dreg:$0x4] =	wrdreg $0xC0  }
0xab: {  	_ =	task [dreg:s7], $0x5FFFF  }
0xac: {  	[dreg:$0x1] =	wrdreg $0xFFFFFFFF  }
0xad: {  	[dreg:$0x0] =	wrdreg $0x60  }
0xae: {  	[dreg:$0x2] =	wrdreg s24  }
0xaf: {  	[dreg:$0x3] =	wrdreg s2  }
0xb0: {  	[dreg:$0x4] =	wrdreg $0xB8000  }
0xb1: {  	[dreg:$0x5] =	wrdreg $0x9  }
0xb2: {  	_ =	task.clear_ibuf [dreg:s7], $0x6FFFF;
	_ =	strace $0x90000049  }
0xb3: {  	s29 =	simm.s32 $0x9;
	_ =	strace $0x8000004B  }
0xb4: {  	_ =	swait.ge [sflag:s29], $0x1  }
0xb5: {  	[sflag:s29] =	ssyncadd.s32 $0xFFFFFFFF  }
0xb6: {  	_ =	strace $0x9000004B  }
0xb7: {  	_ =	sfence  }
0xb8: {  	s30 =	sld [smem:$0x0];
	_ =	sdelay $0x2  }
0xb9: {  	s31 =	sshll.u32 s1, $0xD;
	s1 =	sshrl.u32 s1, $0x2  }
0xba: {  	s3 =	sand.u32 $0x4000, s31;
	s1 =	sadd.s32 s1, s30  }
0xbb: {  	s0 =	sor.u32 s3, s0;
	s1 =	sshll.u32 s1, $0x11  }
0xbc: {  	s0 =	sor.u32 s1, s0  }
0xbd: {  	s0 =	sadd.s32 $0x8F2B, s0  }
0xbe: {  	[sflag:s0] =	ssyncadd.remote.s32 $0x1  }
0xbf: {  	_ =	sfence.sel $0xFFFF  }
0xc0: {  	[dreg:$0x0] =	wrdreg $0xFFFFFFFF;
	(pc) =	sbr.abs _section_cstart, $3  }
0xc1: {  	[dreg:$0x1] =	wrdreg $0xFFFFFFFF  }
0xc2: {  	_ =	task.clear_ibuf [dreg:s7], $0x2FFFF;
	_ =	strace $0x9FFFFFFF  }
0xc3: {  	(tm) =	ssettm $0x7FFFFFFF  }
tec
execute0_lowered:
.L_overlay_start_1:
0x0: {  	(tag) =	ssettag $0x1  }
0x1: {  	s6 =	rddreg [dreg:$0x0]  }
0x2: {  	s1 =	rddreg [dreg:$0x1]  }
0x3: {  	s2 =	rddreg [dreg:$0x2]  }
0x4: {  	s0 =	rddreg [dreg:$0x3];
	s3 =	simm.s32 $0x0  }
0x5: {  	s7 =	srdreg.scid;
	s4 =	stileid.u32;
	s13 =	simm.s32 $0x4  }
0x6: {  	s14 =	simm.s32 $0x50;
	s15 =	simm.s32 $0x4000;
	s16 =	simm.s32 $0x80  }
0x7: {  	s17 =	simm.s32 $0x6800;
	s18 =	simm.s32 $0x0;
	[smem:$0x7FF] =	sst s3  }
0x8: {  	s5 =	sadd.s32 $0x2200, s6;
	s7 =	sand.u32 $0x1, s7;
	s8 =	sshll.u32 s4, $0xA  }
0x9: {  	s29 =	sshll.u32 s4, $0xB;
	s30 =	sshll.u32 s4, $0xE;
	s31 =	sshll.u32 s4, $0x6  }
0xa: {  	_ =	strace $0x8000004A;
	s9 =	sshll.u32 s7, $0x9;
	s10 =	ssub.s32 $0x2, s7  }
0xb: {  	s7 =	sshll.u32 s7, $0xF;
	s12 =	sadd.s32 s30, s2;
	s8 =	sor.u32 s9, s8  }
0xc: {  	s11 =	sshrl.u32 s10, $0x1;
	s9 =	sadd.s32 s29, s6;
	s8 =	sadd.s32 s8, s6  }
0xd: {  	s10 =	ssub.s32 s10, s11;
	s6 =	sor.u32 $0x1C06, s31;
	s9 =	sadd.s32 s7, s9  }
0xe: {  	s11 =	sshrl.u32 s12, $0x3;
	s12 =	simm.s32 $0x6;
	s7 =	sadd.s32 $0x7A200, s8  }
0xf: {  	s8 =	sadd.s32 $0x7E200, s8;
	s9 =	sadd.s32 $0x29400, s9;
	s10 =	smax.u32 s10, $0x1  }
.LBB2_1:
0x10: {  	[spmem:s11], [sflag:s6] =	dma.local [hbm:s1], $0x800  }
0x11: {  	s19 =	simm.s32 $0x2;
	p0 =	por $0x0, $0x0;
	_ =	swait.ge [sflag:s12], $0x800  }
0x12: {  	s19 =	smul.u32 @!p0 $0xAB, s19;
	[sflag:s12] =	ssyncset.done $0x0  }
0x13: {  	s24 =	simm.s32 $0x2000;
	s20 =	simm.s32 $0x0;
	[sflag:s12] =	ssyncadd.s32 $0xFFFFF800  }
0x14: {  	s20 =	smul.u32 $0xAB, s20;
	s19 =	sshrl.u32 @!p0 s19, $0x9;
	[bflag:$0x0] =	sbarrier.arrive $0xFFFF  }
0x15: {  	[tilespmem:s3], [sflag:$0x4] =	stream.linear.gather [hbm4b:s7+s3], $0xC80, $0x38;
	[tilespmem:$0xF800] =	vst v63  }
0x16: {  	s23 =	simm.s32 $0x100;
	s20 =	sshrl.u32 s20, $0x9;
	s19 =	sand.u32 @!p0 $0x7F, s19  }
0x17: {  	[tilespmem:s24], [sflag:$0x4] =	stream.linear.gather [hbm4b:s8+s3], $0xC80, $0x38;
	[tilespmem:$0xF800] =	vst v63  }
0x18: {  	s20 =	sand.u32 $0x7F, s20;
	s19 =	smul.u32 @!p0 $0x3, s19;
	_ =	swait.ge [sflag:s13], $0xC80  }
0x19: {  	s21 =	simm.s32 $0x3;
	s20 =	smul.u32 $0x3, s20;
	[sflag:s13] =	ssyncset.done $0x0  }
0x1a: {  	s22 =	simm.s32 $0x4;
	s29 =	simm.s32 @!p0 $0x50;
	[sflag:s13] =	ssyncadd.s32 $0xFFFFF380  }
0x1b: {  	s19 =	ssub.s32 @!p0 $0x2, s19;
	s28 =	ssub.s32 $0x0, s20;
	_ =	swait.ge [sflag:s13], $0xC80  }
0x1c: {  	s20 =	simm.s32 $0x180;
	s19 =	sand.u32 @!p0 $0xFF, s19;
	[sflag:s13] =	ssyncset.done $0x0  }
0x1d: {  	s28 =	sand.u32 $0xFF, s28;
	s25 =	smul.u32 @!p0 $0xA000, s19;
	[sflag:s13] =	ssyncadd.s32 $0xFFFFF380  }
0x1e: {  	[tilespmem:s15], [sflag:$0x1] =	stream.indirect.gather [hbm4b:s5+s14], $0x80, s3, s14, $0xb8;
	[tilespmem:$0xF800] =	vst v63  }
0x1f: {  	s26 =	sadd.s32 @!p0 $0x1, s19;
	s19 =	simm.s32 $0x2080;
	s25 =	sshrl.u32 @!p0 s25, $0x2  }
0x20: {  	[tilespmem:s17], [sflag:$0x2] =	stream.indirect.gather [hbm4b:s5+s14], $0x80, s16, s14, $0xb8;
	[tilespmem:$0xF800] =	vst v63  }
0x21: {  	s30 =	smul.u32 $0xA000, s28;
	s28 =	sadd.s32 $0x1, s28;
	s25 =	sadd.s32 @!p0 $0x4000, s25  }
0x22: {  	[tilespmem:s25], [sflag:s26] =	stream.indirect.gather @!p0 [hbm4b:s5+s29], $0x80, s23, s29, $0xb8;
	[tilespmem:$0xF800] =	vst v63  }
0x23: {  	s23 =	simm.s32 $0x1;
	s26 =	sshrl.u32 s30, $0x2;
	_ =	swait.ge [sflag:s28], $0x2800  }
0x24: {  	p0 =	por $0x0, $0x0;
	s30 =	smul.u32 $0xAB, s23;
	[sflag:s28] =	ssyncset.done $0x0  }
0x25: {  	s29 =	smul.u32 @!p0 $0xAB, s21;
	s25 =	sadd.s32 $0x4000, s26;
	[sflag:s28] =	ssyncadd.s32 $0xFFFFD800  }
0x26: {  	[spmem:s2] =	stream.indirect.scatter.add.f32 [tilespmem:s25], [sflag:$0x6], $0x80, s24, s14, $0xb8;
	[tilespmem:$0xF800] =	vst v63  }
0x27: {  	s31 =	sshrl.u32 s30, $0x9;
	s25 =	sshrl.u32 @!p0 s29, $0x9;
	_ =	swait.ge [sflag:s12], $0x2800  }
0x28: {  	s24 =	sand.u32 $0x7F, s31;
	s25 =	sand.u32 @!p0 $0x7F, s25;
	[sflag:s12] =	ssyncset.done $0x0  }
.LBB2_2:
0x29: {  	s25 =	smul.u32 @!p0 $0x3, s25;
	[sflag:s12] =	ssyncadd.s32 $0xFFFFD800;
	s26 =	smov.u32 s22  }
0x2a: {  	s22 =	sadd.s32 $0x1, s22;
	s28 =	smov.u32 s20;
	s29 =	smov.u32 s19  }
0x2b: {  	p1 =	sne.s32 s22, $0x1B  }
0x2c: {  	s24 =	smul.u32 $0x3, s24;
	s25 =	ssub.s32 @!p0 s21, s25;
	s21 =	smov.u32 s26  }
0x2d: {  	s25 =	sand.u32 @!p0 $0xFF, s25  }
0x2e: {  	s23 =	ssub.s32 s23, s24;
	s26 =	smul.u32 @!p0 $0xA000, s25;
	s25 =	sadd.s32 @!p0 $0x1, s25  }
0x2f: {  	s20 =	sadd.s32 $0x80, s20;
	s19 =	sadd.s32 $0x80, s19;
	s23 =	sand.u32 $0xFF, s23  }
0x30: {  	s30 =	smul.u32 $0xA000, s23;
	s24 =	sshrl.u32 @!p0 s26, $0x2;
	s26 =	simm.s32 @!p0 $0x50  }
0x31: {  	s31 =	sadd.s32 $0x1, s23;
	s23 =	sadd.s32 $0xFFFFFFFE, s21;
	s24 =	sadd.s32 @!p0 $0x4000, s24  }
0x32: {  	[tilespmem:s24], [sflag:s25] =	stream.indirect.gather @!p0 [hbm4b:s5+s26], $0x80, s28, s26, $0xb8;
	[tilespmem:$0xF800] =	vst v63  }
0x33: {  	s24 =	sshrl.u32 s30, $0x2;
	s25 =	smul.u32 $0xAB, s23;
	_ =	swait.ge [sflag:s31], $0x2800  }
.Ltmp0:
0x34: {  	p0 =	sgt.u32 s23, $0x16;
	[sflag:s31] =	ssyncset.done $0x0;
	(pc) =	sbr.rel @p1 .LBB2_2-.Ltmp0, $4  }
0x35: {  	s26 =	smul.u32 @!p0 $0xAB, s21;
	s24 =	sadd.s32 $0x4000, s24;
	[sflag:s31] =	ssyncadd.s32 $0xFFFFD800  }
0x36: {  	[spmem:s2] =	stream.indirect.scatter.add.f32 [tilespmem:s24], [sflag:$0x6], $0x80, s29, s14, $0xb8;
	[tilespmem:$0xF800] =	vst v63  }
0x37: {  	s24 =	sshrl.u32 s25, $0x9;
	s25 =	sshrl.u32 @!p0 s26, $0x9;
	_ =	swait.ge [sflag:s12], $0x2800  }
0x38: {  	s24 =	sand.u32 $0x7F, s24;
	s25 =	sand.u32 @!p0 $0x7F, s25;
	[sflag:s12] =	ssyncset.done $0x0  }
0x39: {  	s22 =	smul.u32 @!p0 $0x3, s25;
	_ =	sdelay $0x1  }
0x3a: {  	s29 =	smul.u32 $0x3, s24;
	s21 =	ssub.s32 @!p0 s21, s22  }
0x3b: {  	s21 =	sand.u32 @!p0 $0xFF, s21  }
0x3c: {  	s22 =	ssub.s32 s23, s29;
	s24 =	smul.u32 @!p0 $0xA000, s21  }
0x3d: {  	[sflag:s12] =	ssyncadd.s32 $0xFFFFD800;
	s22 =	sand.u32 $0xFF, s22  }
0x3e: {  	s21 =	sadd.s32 @!p0 $0x1, s21;
	s30 =	smul.u32 $0xA000, s22;
	s23 =	sshrl.u32 @!p0 s24, $0x2  }
0x3f: {  	s22 =	sadd.s32 $0x1, s22;
	s24 =	simm.s32 @!p0 $0x50;
	s23 =	sadd.s32 @!p0 $0x4000, s23  }
0x40: {  	[tilespmem:s23], [sflag:s21] =	stream.indirect.gather @!p0 [hbm4b:s5+s24], $0x80, s20, s24, $0xb8;
	[tilespmem:$0xF800] =	vst v63  }
0x41: {  	_ =	swait.ge [sflag:s22], $0x2800  }
0x42: {  	s31 =	sshrl.u32 s30, $0x2;
	[sflag:s22] =	ssyncset.done $0x0  }
0x43: {  	s20 =	sadd.s32 $0x4000, s31;
	[sflag:s22] =	ssyncadd.s32 $0xFFFFD800  }
0x44: {  	[spmem:s2] =	stream.indirect.scatter.add.f32 [tilespmem:s20], [sflag:$0x6], $0x80, s19, s14, $0xb8;
	[tilespmem:$0xF800] =	vst v63  }
0x45: {  	_ =	swait.ge [sflag:s12], $0x2800  }
0x46: {  	s18 =	sadd.s32 $0x1, s18;
	[sflag:s12] =	ssyncset.done $0x0  }
0x47: {  	p0 =	sne.s32 s18, s10;
	[sflag:s12] =	ssyncadd.s32 $0xFFFFD800  }
.Ltmp1:
0x48: {  	[bflag:$0x0] =	sbarrier.arrive $0xFFFF;
	(pc) =	sbr.rel @p0 .LBB2_1-.Ltmp1, $4  }
0x49: {  	[hbm:s9], [sflag:s6] =	dma.local [spmem:s11], $0x800  }
0x4a: {  	_ =	swait.ge [sflag:s12], $0x800  }
0x4b: {  	[sflag:s12] =	ssyncset.done $0x0  }
0x4c: {  	[sflag:s12] =	ssyncadd.s32 $0xFFFFF800  }
0x4d: {  	_ =	sfence.sel $0x180000  }
0x4e: {  	[bflag:$0x0] =	sbarrier.arrive $0xFFFF  }
0x4f: {  	p0 =	sne.s32 s4, $0x0;
	_ =	strace $0x9000004A  }
0x50: {  	s0 =	sadd.s32 @!p0 $0x100000, s0;
	[bflag:$0x2] =	sbarrier.arrive $0xFFFF  }
0x51: {  	[sflag:s0] =	ssyncadd.tile.s32 @!p0 $0x1;
	_ =	shalt  }
.Lfunc_end2:
_tile_overlayer_lowered:
.L_overlay_start_2:
0x52: {  	(tag) =	ssettag $0x2  }
0x53: {  	s0 =	rddreg [dreg:$0x0];
	s2 =	stileid.u32  }
0x54: {  	s1 =	rddreg [dreg:$0x1];
	p0 =	sne.s32 s2, $0x0  }
0x55: {  	s3 =	rddreg [dreg:$0x2];
	[bflag:$0x3] =	sbarrier.arrive $0xFFFF;
	s2 =	simm.s32 @!p0 $0x1C06  }
0x56: {  	[timem:s3], [sflag:s2] =	dma.local @!p0 [hbm:s0], s1  }
0x57: {  	s0 =	simm.s32 @!p0 $0x6  }
0x58: {  	_ =	swait.ge @!p0 [sflag:s0], s1  }
0x59: {  	s1 =	ssub.s32 @!p0 $0x0, s1;
	[sflag:s0] =	ssyncset.done @!p0 $0x0  }
0x5a: {  	[sflag:s0] =	ssyncadd.s32 @!p0 s1  }
0x5b: {  	[bflag:$0x3] =	sbarrier.arrive $0xFFFF  }
0x5c: {  	_ =	shalt  }

// kernel: kernel.7.cloned.1.call-start
scs
__scs_entry_jumppad:
0x0: {  	(pc) =	sbr.rel $0x88, $3  }
0x1: {  	(tag) =	ssettag $0x0;
	lr =	simm.s32 $0x1  }
0x2: {  	[smem:$0x3F94] =	sst lr;
	_ =	strace $0xD0000000  }
0x3: {  	_ = 	snop  }
0x4: {  	_ = 	snop  }
0x5: {  	_ = 	snop  }
0x6: {  	_ = 	snop  }
0x7: {  	_ = 	snop  }
__scs_overlays_trampoline_lowered:
0x8: {  	[smem:$0x3FA3] =	sst s0  }
0x9: {  	[smem:$0x3FA4] =	sst s1  }
0xa: {  	[smem:$0x3FA5] =	sst s2  }
0xb: {  	[smem:$0x3FA6] =	sst s3  }
0xc: {  	[smem:$0x3FA7] =	sst s4  }
0xd: {  	[smem:$0x3FA8] =	sst s5  }
0xe: {  	[smem:$0x3FA9] =	sst s6  }
0xf: {  	[smem:$0x3FAA] =	sst s7  }
0x10: {  	[smem:$0x3FAB] =	sst s8  }
0x11: {  	[smem:$0x3FAC] =	sst s9;
	s0 =	simm.s32 @!p0 $0x0  }
0x12: {  	s1 =	sld [smem:$0x3F92];
	s0 =	simm.s32 @p0 $0x1  }
0x13: {  	[smem:$0x3FAD] =	sst s0;
	s0 =	simm.s32 @!p1 $0x0  }
0x14: {  	s2 =	sld [smem:$0x3F91];
	s0 =	simm.s32 @p1 $0x1  }
0x15: {  	[smem:$0x3FAE] =	sst s0;
	s0 =	simm.s32 @!p2 $0x0  }
0x16: {  	s3 =	sld [smem:$0x3FDB];
	s0 =	simm.s32 @p2 $0x1  }
0x17: {  	s4 =	simm.s32 $0x1BF5;
	[smem:$0x3FB0] =	sst s0  }
0x18: {  	s0 =	sld [smem:$0x3F93];
	_ =	swait.ge [sflag:s4], $0x0  }
0x19: {  	s7 =	sld [smem:$0x3F94]  }
0x1a: {  	s8 =	sadd.s32 $0xFFFFE003, lr  }
0x1b: {  	s9 =	sadd.s32 $0xFFFFFEF7, lr;
	s5 =	simm.s32 $0xFFFFFFFF;
	p2 =	slt.u32 s8, $0xFFFFF086  }
0x1c: {  	p1 =	slt.u32 s9, $0xF7A;
	s5 =	simm.s32 @!p2 $0x0  }
0x1d: {  	s5 =	simm.s32 @p1 $0x1;
	p0 =	seq.s32 s7, s2  }
0x1e: {  	s7 =	smul.u32 @!p0 $0xF7A, s2;
	p2 =	seq.s32 @!p0 s5, $0x0  }
0x1f: {  	s9 =	smul.u32 $0xF7A, s1;
	s8 =	simm.s32 @!p0 $0x1BF5;
	p2 =	por !p2, p0  }
0x20: {  	[sflag:s8] =	ssyncset.s32 @!p0 $0xFFFFF086;
	s6 =	sadd.s32 @!p0 s3, s7;
	s7 =	simm.s32 @!p0 $0x108  }
0x21: {  	s3 =	sadd.s32 s3, s9;
	s6 =	sadd.s32 @!p0 $0x88, s6;
	s7 =	simm.s32 @p2 $0x1082  }
0x22: {  	[simem:s7], [sflag:s8] =	dma.local @!p0 [hbm:s6], $0xF7A  }
0x23: {  	s9 =	sor.u32 $0xD0000000, s2;
	s6 =	simm.s32 $0x108;
	_ =	swait.ge @!p0 [sflag:s8], $0x0  }
0x24: {  	s3 =	sadd.s32 $0x88, s3;
	s6 =	simm.s32 @!p1 $0x1082;
	[sflag:s4] =	ssyncset.s32 $0xFFFFF086  }
0x25: {  	[simem:s6], [sflag:s4] =	dma.local [hbm:s3], $0xF7A  }
0x26: {  	[smem:$0x3F94] =	sst s1;
	(tag) =	ssettag s2;
	_ =	strace s9  }
0x27: {  	s1 =	sld [smem:$0x3FA4]  }
0x28: {  	s2 =	sld [smem:$0x3FA5]  }
0x29: {  	s4 =	sld [smem:$0x3FA7]  }
0x2a: {  	p0 =	seq.s32 s5, $0x0;
	s5 =	sld [smem:$0x3FA8]  }
0x2b: {  	s6 =	sld [smem:$0x3FA9]  }
0x2c: {  	s7 =	sld [smem:$0x3FAA]  }
0x2d: {  	s3 =	simm.s32 $0x108;
	s8 =	sld [smem:$0x3FAB]  }
0x2e: {  	s3 =	simm.s32 @!p0 $0x1082;
	s9 =	sld [smem:$0x3FAC]  }
0x2f: {  	lr =	sadd.s32 s0, s3;
	s0 =	sld [smem:$0x3FA3]  }
0x30: {  	s3 =	sld [smem:$0x3FA6]  }
0x31: {  	[smem:$0x3FAF] =	sst s10  }
0x32: {  	s10 =	sld [smem:$0x3FAD];
	_ =	sdelay $0x3  }
0x33: {  	p0 =	seq.s32 s10, $0x1;
	s10 =	sld [smem:$0x3FAF];
	_ =	sdelay $0x3  }
0x34: {  	[smem:$0x3FAF] =	sst s10  }
0x35: {  	s10 =	sld [smem:$0x3FAE];
	_ =	sdelay $0x3  }
0x36: {  	p1 =	seq.s32 s10, $0x1;
	s10 =	sld [smem:$0x3FAF];
	_ =	sdelay $0x3  }
0x37: {  	[smem:$0x3FAF] =	sst s10  }
0x38: {  	s10 =	sld [smem:$0x3FB0]  }
0x39: {  	_ = 	snop;
	(pc) =	sbr.ind lr, $3  }
0x3a: {  	_ = 	snop  }
0x3b: {  	_ = 	snop  }
0x3c: {  	p2 =	seq.s32 s10, $0x1;
	s10 =	sld [smem:$0x3FAF]  }
0x3d: {  	_ =	shalt  }
0x3e: {  	_ =	shalt  }
0x3f: {  	_ =	shalt  }
0x40: {  	_ =	shalt  }
0x41: {  	_ =	shalt  }
0x42: {  	_ =	shalt  }
0x43: {  	_ =	shalt  }
0x44: {  	_ =	shalt  }
0x45: {  	_ =	shalt  }
0x46: {  	_ =	shalt  }
0x47: {  	_ =	shalt  }
0x48: {  	_ =	shalt  }
0x49: {  	_ =	shalt  }
0x4a: {  	_ =	shalt  }
0x4b: {  	_ =	shalt  }
0x4c: {  	_ =	shalt  }
0x4d: {  	_ =	shalt  }
0x4e: {  	_ =	shalt  }
0x4f: {  	_ =	shalt  }
0x50: {  	_ =	shalt  }
0x51: {  	_ =	shalt  }
0x52: {  	_ =	shalt  }
0x53: {  	_ =	shalt  }
0x54: {  	_ =	shalt  }
0x55: {  	_ =	shalt  }
0x56: {  	_ =	shalt  }
0x57: {  	_ =	shalt  }
0x58: {  	_ =	shalt  }
0x59: {  	_ =	shalt  }
0x5a: {  	_ =	shalt  }
0x5b: {  	_ =	shalt  }
0x5c: {  	_ =	shalt  }
0x5d: {  	_ =	shalt  }
0x5e: {  	_ =	shalt  }
0x5f: {  	_ =	shalt  }
0x60: {  	_ =	shalt  }
0x61: {  	_ =	shalt  }
0x62: {  	_ =	shalt  }
0x63: {  	_ =	shalt  }
0x64: {  	_ =	shalt  }
0x65: {  	_ =	shalt  }
0x66: {  	_ =	shalt  }
0x67: {  	_ =	shalt  }
0x68: {  	_ =	shalt  }
0x69: {  	_ =	shalt  }
0x6a: {  	_ =	shalt  }
0x6b: {  	_ =	shalt  }
0x6c: {  	_ =	shalt  }
0x6d: {  	_ =	shalt  }
0x6e: {  	_ =	shalt  }
0x6f: {  	_ =	shalt  }
0x70: {  	_ =	shalt  }
0x71: {  	_ =	shalt  }
0x72: {  	_ =	shalt  }
0x73: {  	_ =	shalt  }
0x74: {  	_ =	shalt  }
0x75: {  	_ =	shalt  }
0x76: {  	_ =	shalt  }
0x77: {  	_ =	shalt  }
0x78: {  	_ =	shalt  }
0x79: {  	_ =	shalt  }
0x7a: {  	_ =	shalt  }
0x7b: {  	_ =	shalt  }
0x7c: {  	_ =	shalt  }
0x7d: {  	_ =	shalt  }
0x7e: {  	_ =	shalt  }
0x7f: {  	_ =	shalt  }
0x80: {  	_ =	shalt  }
0x81: {  	_ =	shalt  }
0x82: {  	_ =	shalt  }
0x83: {  	_ =	shalt  }
0x84: {  	_ =	shalt  }
0x85: {  	_ =	shalt  }
0x86: {  	_ =	shalt  }
0x87: {  	_ =	shalt  }
.Lfunc_end0:
.L_simem_size_0:
called_computation_lowered:
.L_overlay_start_0:
0x88: {  	s2 =	sld [smem:$0x3FD9]  }
0x89: {  	s3 =	sld [smem:$0x3FFE];
	_ =	sdelay $0x1  }
0x8a: {  	s1 =	srdreg.scid  }
0x8b: {  	s0 =	sand.u32 $0x1, s1  }
0x8c: {  	s17 =	sshll.u32 s0, $0xA;
	s2 =	sadd.s32 s3, s2  }
0x8d: {  	s2 =	sadd.s32 s2, s17  }
0x8e: {  	[smem:$0x3FBB] =	sst s2  }
0x8f: {  	_ = 	snop  }
0x90: {  	s2 =	sld [smem:$0x3FC9]  }
0x91: {  	s18 =	sld [smem:$0x3FD0];
	(tm) =	ssettm $0x1  }
0x92: {  	s4 =	sld [smem:$0x3FFB];
	_ =	sdelay $0x3  }
0x93: {  	_ =	strace s4  }
0x94: {  	s4 =	sld [smem:$0x3FFC];
	_ =	sdelay $0x3  }
0x95: {  	_ =	strace s4  }
0x96: {  	s4 =	sld [smem:$0x3FFD];
	_ =	sdelay $0x3  }
0x97: {  	_ =	strace s4  }
0x98: {  	_ =	strace $0x8FFFFFFF  }
0x99: {  	s19 =	sld [smem:$0x3FDB];
	_ =	sdelay $0x1  }
0x9a: {  	s5 =	simm.s32 $_scs_section_size  }
0x9b: {  	s6 =	simm.s32 $_size__tile_overlayer_lowered;
	s7 =	simm.s32 $_tile_overlayer_lowered  }
0x9c: {  	s22 =	simm.s32 $0x1BFF;
	s21 =	sshll.u32 s7, $0x1;
	s4 =	sadd.s32 s5, s19  }
0x9d: {  	s8 =	simm.s32 $0x0;
	s20 =	sshll.u32 s6, $0x1;
	s6 =	sadd.s32 s21, s4  }
0x9e: {  	[timem:s8], [sflag:s22] =	dma.local [hbm:s6], s20  }
0x9f: {  	_ =	swait.ge [sflag:s22], s20  }
0xa0: {  	s5 =	ssub.s32 $0x0, s20;
	[sflag:s22] =	ssyncset.done $0x0  }
0xa1: {  	[sflag:s22] =	ssyncadd.s32 s5;
	_ =	sdelay $0x1  }
0xa2: {  	s23 =	simm.s32 $0x1B8B  }
0xa3: {  	_ =	swait.ge [sflag:s23], $0x1  }
0xa4: {  	[sflag:s23] =	ssyncset.done $0x0  }
0xa5: {  	s25 =	simm.s32 $0x1B8E;
	s24 =	sld [smem:$0x3FFE];
	[sflag:s23] =	ssyncadd.s32 $0xFFFFFFFF  }
0xa6: {  	s26 =	simm.s32 $execute0_lowered;
	[smem:$0x3FD2] =	sst s25  }
0xa7: {  	s6 =	sshll.u32 s26, $0x1;
	_ =	strace $0x80000046;
	[dreg:$0x1] =	wrdreg $0xFFFFFFFF  }
0xa8: {  	s28 =	simm.s32 $_size_execute0_lowered;
	s4 =	sadd.s32 s4, s6;
	[dreg:$0x0] =	wrdreg $0x0  }
0xa9: {  	s6 =	sshll.u32 s28, $0x1;
	[dreg:$0x2] =	wrdreg s4  }
0xaa: {  	[dreg:$0x3] =	wrdreg s6  }
0xab: {  	[dreg:$0x4] =	wrdreg $0xC0  }
0xac: {  	_ =	task [dreg:s8], $0x5FFFF  }
0xad: {  	[dreg:$0x1] =	wrdreg $0xFFFFFFFF  }
0xae: {  	[dreg:$0x0] =	wrdreg $0x60  }
0xaf: {  	[dreg:$0x2] =	wrdreg s2  }
0xb0: {  	[dreg:$0x3] =	wrdreg s24  }
0xb1: {  	[dreg:$0x4] =	wrdreg s18  }
0xb2: {  	[dreg:$0x5] =	wrdreg $0xB8000  }
0xb3: {  	[dreg:$0x6] =	wrdreg $0x9  }
0xb4: {  	_ =	task.clear_ibuf [dreg:s8], $0x7FFFF;
	_ =	strace $0x90000046  }
0xb5: {  	s29 =	simm.s32 $0x9;
	_ =	strace $0x80000048  }
0xb6: {  	_ =	swait.ge [sflag:s29], $0x1  }
0xb7: {  	[sflag:s29] =	ssyncadd.s32 $0xFFFFFFFF  }
0xb8: {  	_ =	strace $0x90000048  }
0xb9: {  	_ =	sfence  }
0xba: {  	s30 =	sld [smem:$0x0];
	_ =	sdelay $0x2  }
0xbb: {  	s31 =	sshll.u32 s1, $0xD;
	s1 =	sshrl.u32 s1, $0x2  }
0xbc: {  	s3 =	sand.u32 $0x4000, s31;
	s1 =	sadd.s32 s1, s30  }
0xbd: {  	s0 =	sor.u32 s3, s0;
	s1 =	sshll.u32 s1, $0x11  }
0xbe: {  	s0 =	sor.u32 s1, s0  }
0xbf: {  	s0 =	sadd.s32 $0x8F2B, s0  }
0xc0: {  	[sflag:s0] =	ssyncadd.remote.s32 $0x1  }
0xc1: {  	_ =	sfence.sel $0xFFFF  }
0xc2: {  	[dreg:$0x0] =	wrdreg $0xFFFFFFFF;
	(pc) =	sbr.abs _section_cstart, $3  }
0xc3: {  	[dreg:$0x1] =	wrdreg $0xFFFFFFFF  }
0xc4: {  	_ =	task.clear_ibuf [dreg:s8], $0x2FFFF;
	_ =	strace $0x9FFFFFFF  }
0xc5: {  	(tm) =	ssettm $0x7FFFFFFF  }
tec
execute0_lowered:
.L_overlay_start_1:
0x0: {  	(tag) =	ssettag $0x1  }
0x1: {  	s1 =	rddreg [dreg:$0x0]  }
0x2: {  	s0 =	rddreg [dreg:$0x1]  }
0x3: {  	s3 =	rddreg [dreg:$0x3];
	s2 =	simm.s32 $0x0  }
0x4: {  	s20 =	srdreg.scid;
	s10 =	stileid.u32;
	s18 =	simm.s32 $0x6  }
0x5: {  	s28 =	simm.s32 $0x0;
	[smem:$0x7FF] =	sst s2;
	s2 =	sand.u32 $0x1, s20  }
0x6: {  	s4 =	sshll.u32 s10, $0x1;
	s5 =	smul.u32 $0x280, s10;
	s6 =	sadd.s32 $0x2200, s0  }
0x7: {  	s8 =	smul.u32 $0x50000, s10;
	s0 =	sadd.s32 $0x2A200, s0;
	s22 =	sshll.u32 s10, $0x6  }
0x8: {  	s4 =	sor.u32 s2, s4;
	s9 =	ssub.s32 $0x2, s2;
	s2 =	smul.u32 $0x2800, s2  }
0x9: {  	s20 =	simm.s32 $0x50;
	_ =	strace $0x80000047;
	s7 =	smul.u32 $0x5000, s4  }
0xa: {  	s21 =	sshrl.u32 s9, $0x1;
	s8 =	sshrl.u32 s8, $0x2;
	s13 =	sadd.s32 $0x80, s5  }
0xb: {  	s14 =	sadd.s32 $0x100, s5;
	s15 =	sadd.s32 $0x180, s5;
	s4 =	ssub.s32 s9, s21  }
0xc: {  	s8 =	sadd.s32 s8, s3;
	s9 =	sor.u32 $0x1C06, s22;
	s11 =	sadd.s32 s5, s2  }
0xd: {  	s26 =	sadd.s32 s2, s13;
	s13 =	sshll.u32 s13, $0x7;
	s29 =	sadd.s32 s2, s14  }
0xe: {  	s14 =	sshll.u32 s14, $0x7;
	s30 =	sshll.u32 s15, $0x7;
	s15 =	sadd.s32 s2, s15  }
0xf: {  	s5 =	sadd.s32 $0x200, s5;
	s21 =	simm.s32 $0x4000;
	[dreg:$0x5] =	wrdreg s8  }
0x10: {  	s23 =	sshrl.u32 s7, $0x3;
	s25 =	sshll.u32 s11, $0x4;
	s19 =	sadd.s32 s13, s3  }
0x11: {  	s15 =	sshll.u32 s15, $0x4;
	s16 =	sshll.u32 s5, $0x7;
	s2 =	sadd.s32 s2, s5  }
0x12: {  	s17 =	smax.u32 s4, $0x1;
	s24 =	sadd.s32 s6, s23;
	s8 =	sadd.s32 s0, s25  }
0x13: {  	s23 =	sadd.s32 s14, s3;
	s15 =	sadd.s32 s0, s15;
	s31 =	sadd.s32 s16, s3  }
0x14: {  	s2 =	sshll.u32 s2, $0x4;
	[dreg:$0x8] =	wrdreg s8;
	s8 =	sshll.u32 s26, $0x4  }
0x15: {  	s22 =	sshrl.u32 s19, $0x3;
	[dreg:$0x6] =	wrdreg s24;
	s8 =	sadd.s32 s0, s8  }
0x16: {  	s10 =	sadd.s32 $0x14000, s24;
	[dreg:$0x9] =	wrdreg s8;
	s8 =	sshll.u32 s29, $0x4  }
0x17: {  	s16 =	sadd.s32 s0, s2;
	s23 =	sshrl.u32 s23, $0x3;
	s8 =	sadd.s32 s0, s8  }
0x18: {  	s25 =	sshrl.u32 s31, $0x3;
	[dreg:$0xa] =	wrdreg s8;
	s8 =	sadd.s32 s30, s3  }
0x19: {  	s26 =	simm.s32 $0x6800;
	[dreg:$0x7] =	wrdreg s10;
	s24 =	sshrl.u32 s8, $0x3  }
.LBB2_1:
0x1a: {  	s0 =	rddreg [dreg:$0x5]  }
0x1b: {  	s14 =	rddreg [dreg:$0x2];
	s29 =	sshrl.u32 s0, $0x3  }
0x1c: {  	[spmem:s29], [sflag:s9] =	dma.local [hbm:s14], $0x2800  }
0x1d: {  	_ =	swait.ge [sflag:s18], $0x2800  }
0x1e: {  	[sflag:s18] =	ssyncset.done $0x0  }
0x1f: {  	[sflag:s18] =	ssyncadd.s32 $0xFFFFD800  }
0x20: {  	[bflag:$0x0] =	sbarrier.arrive $0xFFFF  }
0x21: {  	s19 =	simm.s32 $0x0;
	s4 =	simm.s32 $0x2000;
	s2 =	rddreg [dreg:$0x6]  }
0x22: {  	[tilespmem:s19], [sflag:$0x4] =	stream.linear.gather [hbm4b:s2+s19], $0xC80, $0x38;
	[tilespmem:$0x1F800] =	vst v63  }
0x23: {  	p0 =	por $0x0, $0x0;
	s30 =	simm.s32 $0x0;
	s31 =	rddreg [dreg:$0x7]  }
0x24: {  	[tilespmem:s4], [sflag:$0x4] =	stream.linear.gather [hbm4b:s31+s19], $0xC80, $0x38;
	[tilespmem:$0x1F800] =	vst v63  }
.LBB2_3:
0x25: {  	s0 =	smov.u32 s30  }
0x26: {  	s30 =	sadd.s32 $0x1, s30;
	p1 =	seq.s32 s0, $0x4  }
0x27: {  	s2 =	sshll.u32 @!p1 s30, $0xC  }
0x28: {  	s0 =	sand.u32 $0x1, s0;
	s2 =	sadd.s32 @!p1 s7, s2  }
0x29: {  	s4 =	sxor.u32 @!p1 $0x1, s0;
	s8 =	simm.s32 @!p1 $0x0;
	s2 =	sshrl.u32 @!p1 s2, $0x3  }
0x2a: {  	s5 =	sor.u32 @!p1 $0x4, s4;
	s4 =	sshll.u32 @!p1 s4, $0xC;
	s2 =	sadd.s32 @!p1 s6, s2  }
0x2b: {  	[tilespmem:s4], [sflag:s5] =	stream.linear.gather @!p1 [hbm4b:s2+s8], $0xC80, $0x38;
	[tilespmem:$0x1F800] =	vst v63  }
0x2c: {  	s12 =	sor.u32 $0x4, s0;
	s4 =	sor.u32 @!p1 $0x2000, s4;
	s2 =	sadd.s32 @!p1 $0x14000, s2  }
0x2d: {  	[tilespmem:s4], [sflag:s5] =	stream.linear.gather @!p1 [hbm4b:s2+s8], $0xC80, $0x38;
	[tilespmem:$0x1F800] =	vst v63  }
0x2e: {  	_ =	swait.ge [sflag:s12], $0xC80  }
0x2f: {  	[sflag:s12] =	ssyncset.done $0x0  }
0x30: {  	[sflag:s12] =	ssyncadd.s32 $0xFFFFF380  }
0x31: {  	_ =	swait.ge [sflag:s12], $0xC80  }
0x32: {  	s2 =	simm.s32 $0x2;
	p1 =	por $0x0, $0x0;
	[sflag:s12] =	ssyncset.done $0x0  }
0x33: {  	s0 =	sshll.u32 s0, $0xC;
	s2 =	smul.u32 @!p1 $0xAB, s2;
	[sflag:s12] =	ssyncadd.s32 $0xFFFFF380  }
0x34: {  	[tilespmem:s21], [sflag:$0x1] =	stream.indirect.gather [hbm4b:s1+s20], $0x80, s0, s20, $0xb8;
	[tilespmem:$0x1F800] =	vst v63  }
0x35: {  	s13 =	simm.s32 $0x0;
	s2 =	sshrl.u32 @!p1 s2, $0x9;
	s0 =	sor.u32 $0x80, s0  }
0x36: {  	[tilespmem:s26], [sflag:$0x2] =	stream.indirect.gather [hbm4b:s1+s20], $0x80, s0, s20, $0xb8;
	[tilespmem:$0x1F800] =	vst v63  }
0x37: {  	s4 =	smul.u32 $0xAB, s13;
	s2 =	sand.u32 @!p1 $0x7F, s2;
	s0 =	simm.s32 $0x1  }
0x38: {  	s2 =	smul.u32 @!p1 $0x3, s2;
	s0 =	simm.s32 @!p0 $0x0  }
0x39: {  	s10 =	simm.s32 @!p1 $0x50;
	s4 =	sshrl.u32 s4, $0x9;
	s0 =	sshll.u32 s0, $0xC  }
0x3a: {  	s19 =	sand.u32 $0x7F, s4;
	s2 =	ssub.s32 @!p1 $0x2, s2;
	s5 =	sor.u32 $0x100, s0  }
0x3b: {  	s14 =	sor.u32 $0x2000, s0;
	s0 =	smul.u32 $0x3, s19;
	s19 =	sand.u32 @!p1 $0xFF, s2  }
0x3c: {  	s4 =	simm.s32 $0x3;
	s2 =	simm.s32 $0x4;
	s11 =	smul.u32 @!p1 $0xA000, s19  }
0x3d: {  	s19 =	sadd.s32 @!p1 $0x1, s19;
	s31 =	sadd.s32 $0x80, s14;
	s12 =	ssub.s32 $0x0, s0  }
0x3e: {  	s0 =	sadd.s32 $0x80, s5;
	s12 =	sand.u32 $0xFF, s12;
	s11 =	sshrl.u32 @!p1 s11, $0x2  }
0x3f: {  	s11 =	sadd.s32 @!p1 $0x4000, s11;
	s13 =	smul.u32 $0xA000, s12;
	s12 =	sadd.s32 $0x1, s12  }
0x40: {  	[tilespmem:s11], [sflag:s19] =	stream.indirect.gather @!p1 [hbm4b:s1+s10], $0x80, s5, s10, $0xb8;
	[tilespmem:$0x1F800] =	vst v63  }
0x41: {  	s19 =	simm.s32 $0x1;
	p1 =	por $0x0, $0x0;
	_ =	swait.ge [sflag:s12], $0x2800  }
0x42: {  	s10 =	sshrl.u32 s13, $0x2;
	s13 =	smul.u32 $0xAB, s19;
	[sflag:s12] =	ssyncset.done $0x0  }
0x43: {  	s11 =	smul.u32 @!p1 $0xAB, s4;
	s5 =	sadd.s32 $0x4000, s10;
	[sflag:s12] =	ssyncadd.s32 $0xFFFFD800  }
0x44: {  	[spmem:s3] =	stream.indirect.scatter.add.f32 [tilespmem:s5], [sflag:$0x6], $0x80, s14, s20, $0xb8;
	[tilespmem:$0x1F800] =	vst v63  }
0x45: {  	s8 =	sshrl.u32 @!p1 s11, $0x9;
	s14 =	sshrl.u32 s13, $0x9;
	_ =	swait.ge [sflag:s18], $0x2800  }
0x46: {  	s8 =	sand.u32 @!p1 $0x7F, s8;
	s5 =	sand.u32 $0x7F, s14;
	[sflag:s18] =	ssyncset.done $0x0  }
.LBB2_4:
0x47: {  	s8 =	smul.u32 @!p1 $0x3, s8;
	[sflag:s18] =	ssyncadd.s32 $0xFFFFD800;
	s10 =	smov.u32 s2  }
0x48: {  	s2 =	sadd.s32 $0x1, s2;
	s11 =	smov.u32 s0;
	s12 =	smov.u32 s31  }
0x49: {  	p2 =	seq.s32 s2, $0x1B  }
0x4a: {  	s8 =	ssub.s32 @!p1 s4, s8;
	s4 =	smov.u32 s10  }
0x4b: {  	s5 =	smul.u32 $0x3, s5;
	s8 =	sand.u32 @!p1 $0xFF, s8  }
0x4c: {  	s0 =	sadd.s32 $0x80, s0;
	s10 =	smul.u32 @!p1 $0xA000, s8;
	s8 =	sadd.s32 @!p1 $0x1, s8  }
0x4d: {  	s31 =	sadd.s32 $0x80, s31;
	s13 =	simm.s32 @!p1 $0x50;
	s5 =	ssub.s32 s19, s5  }
0x4e: {  	s5 =	sand.u32 $0xFF, s5;
	s19 =	sadd.s32 $0xFFFFFFFE, s4;
	s10 =	sshrl.u32 @!p1 s10, $0x2  }
0x4f: {  	s14 =	smul.u32 $0xA000, s5;
	s5 =	sadd.s32 $0x1, s5;
	s10 =	sadd.s32 @!p1 $0x4000, s10  }
0x50: {  	[tilespmem:s10], [sflag:s8] =	stream.indirect.gather @!p1 [hbm4b:s1+s13], $0x80, s11, s13, $0xb8;
	[tilespmem:$0x1F800] =	vst v63  }
0x51: {  	s8 =	sshrl.u32 s14, $0x2;
	s10 =	smul.u32 $0xAB, s19;
	_ =	swait.ge [sflag:s5], $0x2800  }
.Ltmp0:
0x52: {  	p1 =	sgt.u32 s19, $0x16;
	[sflag:s5] =	ssyncset.done $0x0;
	(pc) =	sbr.rel @!p2 .LBB2_4-.Ltmp0, $4  }
0x53: {  	s11 =	smul.u32 @!p1 $0xAB, s4;
	s8 =	sadd.s32 $0x4000, s8;
	[sflag:s5] =	ssyncadd.s32 $0xFFFFD800  }
0x54: {  	[spmem:s3] =	stream.indirect.scatter.add.f32 [tilespmem:s8], [sflag:$0x6], $0x80, s12, s20, $0xb8;
	[tilespmem:$0x1F800] =	vst v63  }
0x55: {  	s5 =	sshrl.u32 s10, $0x9;
	s8 =	sshrl.u32 @!p1 s11, $0x9;
	_ =	swait.ge [sflag:s18], $0x2800  }
0x56: {  	s5 =	sand.u32 $0x7F, s5;
	s8 =	sand.u32 @!p1 $0x7F, s8;
	[sflag:s18] =	ssyncset.done $0x0  }
0x57: {  	s2 =	smul.u32 @!p1 $0x3, s8;
	_ =	sdelay $0x1  }
0x58: {  	s2 =	ssub.s32 @!p1 s4, s2  }
0x59: {  	s14 =	smul.u32 $0x3, s5;
	s2 =	sand.u32 @!p1 $0xFF, s2  }
0x5a: {  	s5 =	smul.u32 @!p1 $0xA000, s2  }
0x5b: {  	[sflag:s18] =	ssyncadd.s32 $0xFFFFD800;
	s8 =	simm.s32 @!p1 $0x50;
	s4 =	ssub.s32 s19, s14  }
0x5c: {  	s4 =	sand.u32 $0xFF, s4;
	s2 =	sadd.s32 @!p1 $0x1, s2;
	s5 =	sshrl.u32 @!p1 s5, $0x2  }
0x5d: {  	s10 =	smul.u32 $0xA000, s4;
	s4 =	sadd.s32 $0x1, s4;
	s5 =	sadd.s32 @!p1 $0x4000, s5  }
0x5e: {  	[tilespmem:s5], [sflag:s2] =	stream.indirect.gather @!p1 [hbm4b:s1+s8], $0x80, s0, s8, $0xb8;
	[tilespmem:$0x1F800] =	vst v63  }
0x5f: {  	_ =	swait.ge [sflag:s4], $0x2800  }
0x60: {  	s19 =	sshrl.u32 s10, $0x2;
	[sflag:s4] =	ssyncset.done $0x0  }
0x61: {  	s0 =	sadd.s32 $0x4000, s19;
	[sflag:s4] =	ssyncadd.s32 $0xFFFFD800  }
0x62: {  	[spmem:s3] =	stream.indirect.scatter.add.f32 [tilespmem:s0], [sflag:$0x6], $0x80, s31, s20, $0xb8;
	[tilespmem:$0x1F800] =	vst v63  }
0x63: {  	_ =	swait.ge [sflag:s18], $0x2800  }
0x64: {  	[sflag:s18] =	ssyncset.done $0x0  }
0x65: {  	[sflag:s18] =	ssyncadd.s32 $0xFFFFD800  }
0x66: {  	p1 =	seq.s32 s30, $0x5  }
.Ltmp1:
0x67: {  	_ = 	snop;
	(pc) =	sbr.rel @!p1 .LBB2_3-.Ltmp1, $2  }
0x68: {  	_ =	sdelay $0x2  }
0x69: {  	p0 =	por !p0, !p0  }
0x6a: {  	[bflag:$0x0] =	sbarrier.arrive $0xFFFF  }
0x6b: {  	s0 =	rddreg [dreg:$0x8]  }
0x6c: {  	[hbm:s0], [sflag:s9] =	dma.local [spmem:s29], $0x800  }
0x6d: {  	_ =	swait.ge [sflag:s18], $0x800  }
0x6e: {  	[sflag:s18] =	ssyncset.done $0x0  }
0x6f: {  	s30 =	rddreg [dreg:$0x9];
	[sflag:s18] =	ssyncadd.s32 $0xFFFFF800  }
0x70: {  	[hbm:s30], [sflag:s9] =	dma.local [spmem:s22], $0x800  }
0x71: {  	_ =	swait.ge [sflag:s18], $0x800  }
0x72: {  	[sflag:s18] =	ssyncset.done $0x0  }
0x73: {  	s31 =	rddreg [dreg:$0xa];
	[sflag:s18] =	ssyncadd.s32 $0xFFFFF800  }
0x74: {  	[hbm:s31], [sflag:s9] =	dma.local [spmem:s23], $0x800  }
0x75: {  	_ =	swait.ge [sflag:s18], $0x800  }
0x76: {  	[sflag:s18] =	ssyncset.done $0x0  }
0x77: {  	[sflag:s18] =	ssyncadd.s32 $0xFFFFF800  }
0x78: {  	[hbm:s15], [sflag:s9] =	dma.local [spmem:s24], $0x800  }
0x79: {  	s28 =	sadd.s32 $0x1, s28;
	_ =	swait.ge [sflag:s18], $0x800  }
0x7a: {  	p0 =	sne.s32 s28, s17;
	[sflag:s18] =	ssyncset.done $0x0  }
.Ltmp2:
0x7b: {  	[sflag:s18] =	ssyncadd.s32 $0xFFFFF800;
	(pc) =	sbr.rel @p0 .LBB2_1-.Ltmp2, $4  }
0x7c: {  	[hbm:s16], [sflag:s9] =	dma.local [spmem:s25], $0x800  }
0x7d: {  	_ =	swait.ge [sflag:s18], $0x800  }
0x7e: {  	[sflag:s18] =	ssyncset.done $0x0  }
0x7f: {  	[sflag:s18] =	ssyncadd.s32 $0xFFFFF800  }
0x80: {  	_ =	sfence.sel $0x180000  }
0x81: {  	[bflag:$0x0] =	sbarrier.arrive $0xFFFF  }
0x82: {  	_ =	strace $0x90000047  }
0x83: {  	s0 =	stileid.u32;
	[bflag:$0x2] =	sbarrier.arrive $0xFFFF  }
0x84: {  	p0 =	sne.s32 s0, $0x0;
	s0 =	rddreg [dreg:$0x4]  }
0x85: {  	s0 =	sadd.s32 @!p0 $0x100000, s0  }
0x86: {  	[sflag:s0] =	ssyncadd.tile.s32 @!p0 $0x1;
	_ =	shalt  }
.Lfunc_end2:
_tile_overlayer_lowered:
.L_overlay_start_2:
0x87: {  	(tag) =	ssettag $0x2  }
0x88: {  	s0 =	rddreg [dreg:$0x0];
	s2 =	stileid.u32  }
0x89: {  	s1 =	rddreg [dreg:$0x1];
	p0 =	sne.s32 s2, $0x0  }
0x8a: {  	s3 =	rddreg [dreg:$0x2];
	[bflag:$0x3] =	sbarrier.arrive $0xFFFF;
	s2 =	simm.s32 @!p0 $0x1C06  }
0x8b: {  	[timem:s3], [sflag:s2] =	dma.local @!p0 [hbm:s0], s1  }
0x8c: {  	s0 =	simm.s32 @!p0 $0x6  }
0x8d: {  	_ =	swait.ge @!p0 [sflag:s0], s1  }
0x8e: {  	s1 =	ssub.s32 @!p0 $0x0, s1;
	[sflag:s0] =	ssyncset.done @!p0 $0x0  }
0x8f: {  	[sflag:s0] =	ssyncadd.s32 @!p0 s1  }
0x90: {  	[bflag:$0x3] =	sbarrier.arrive $0xFFFF  }
0x91: {  	_ =	shalt  }

</sc_bundles>
